<compile_context>
chip_gen: v7x
topology: tpu7x:2x2x1
jax: 0.10.2.dev20260603
libtpu: 0.0.44.dev20260713+nightly
codegen_flags: <defaults>
</compile_context>

<pallas_src>
import functools

import jax
import jax.numpy as jnp
from jax import lax
from jax.experimental import pallas as pl
from jax.experimental.pallas import tpu as pltpu
from jax.experimental.pallas import tpu_sc as plsc

N_BINS = 15
BLOCK_ROWS = 2048
N_WORKERS = 32
LANES = 16


def _scan_body(logits_ref, labels_ref, conf_ref, acc_ref):
    x = logits_ref[...]
    m = jnp.max(x, axis=1, keepdims=True)
    s = jnp.sum(jnp.exp(x - m), axis=1)
    conf_ref[...] = 1.0 / s
    col = lax.broadcasted_iota(jnp.int32, x.shape, 1)
    hit = (x == m) & (col == labels_ref[...][:, None])
    acc_ref[...] = jnp.max(hit.astype(jnp.float32), axis=1)


def _tc_scan(logits, labels):
    n, c = logits.shape
    return pl.pallas_call(
        _scan_body,
        grid=(n // BLOCK_ROWS,),
        in_specs=[
            pl.BlockSpec((BLOCK_ROWS, c), lambda i: (i, 0)),
            pl.BlockSpec((BLOCK_ROWS,), lambda i: (i,)),
        ],
        out_specs=[
            pl.BlockSpec((BLOCK_ROWS,), lambda i: (i,)),
            pl.BlockSpec((BLOCK_ROWS,), lambda i: (i,)),
        ],
        out_shape=[
            jax.ShapeDtypeStruct((n,), jnp.float32),
            jax.ShapeDtypeStruct((n,), jnp.float32),
        ],
    )(logits, labels)


def _sc_bin(conf, acc):
    n = conf.shape[0]
    chunk = n // N_WORKERS
    mesh = plsc.VectorSubcoreMesh(core_axis_name="c", subcore_axis_name="s")

    @functools.partial(
        pl.kernel,
        mesh=mesh,
        out_type=jax.ShapeDtypeStruct((N_WORKERS, 3 * N_BINS, LANES),
                                      jnp.float32),
        scratch_types=[
            pltpu.VMEM((chunk,), jnp.float32),
            pltpu.VMEM((chunk,), jnp.float32),
            pltpu.VMEM((3 * N_BINS, LANES), jnp.float32),
        ],
    )
    def sc_kernel(conf_hbm, acc_hbm, out_hbm, confbuf, accbuf, part):
        w = lax.axis_index("s") * 2 + lax.axis_index("c")
        pltpu.sync_copy(conf_hbm.at[pl.ds(w * chunk, chunk)], confbuf)
        pltpu.sync_copy(acc_hbm.at[pl.ds(w * chunk, chunk)], accbuf)
        zero = jnp.zeros((LANES,), jnp.float32)
        for r in range(3 * N_BINS):
            part[r] = zero

        def step(i, carry):
            cv = confbuf[pl.ds(i * LANES, LANES)]
            av = accbuf[pl.ds(i * LANES, LANES)]
            for b in range(N_BINS):
                in_bin = (cv > jnp.float32(b / N_BINS)) & (
                    cv <= jnp.float32((b + 1) / N_BINS))
                mf = jnp.where(in_bin, 1.0, 0.0)
                plsc.addupdate(part.at[b], mf)
                plsc.addupdate(part.at[N_BINS + b], cv * mf)
                plsc.addupdate(part.at[2 * N_BINS + b], av * mf)
            return carry

        lax.fori_loop(0, chunk // LANES, step, 0)
        pltpu.sync_copy(part, out_hbm.at[w])

    return sc_kernel(conf, acc)


def _combine_body(part_ref, ece_ref, *, n_total):
    x = part_ref[...]
    lane = jnp.sum(x, axis=2)
    tot = jnp.sum(lane, axis=0)
    cnt = tot[0:N_BINS]
    sconf = tot[N_BINS:2 * N_BINS]
    sacc = tot[2 * N_BINS:3 * N_BINS]
    safe = jnp.maximum(cnt, 1.0)
    gap = jnp.abs(sconf / safe - sacc / safe) * (cnt / n_total)
    gap = jnp.where(cnt > 0, gap, 0.0)
    ece_ref[...] = jnp.sum(gap, keepdims=True)


def _tc_combine(partials, n_total):
    return pl.pallas_call(
        functools.partial(_combine_body, n_total=n_total),
        out_shape=jax.ShapeDtypeStruct((1,), jnp.float32),
    )(partials)


def kernel(logits, labels):
    n, _ = logits.shape
    conf, acc = _tc_scan(logits, labels.astype(jnp.int32))
    partials = _sc_bin(conf, acc)
    return _tc_combine(partials, float(n))

# --- scband reference (transcript-rebuilt; emitter-appended) ---
"""Pipeline reference for scband-eceloss-4071628996968 (READ-ONLY COPY).

The authoritative reference and input builder live on the scoring server;
editing this copy changes nothing except your own understanding.
"""

import jax, jax.numpy as jnp
import numpy as np

N_BINS = 15


def setup_inputs(seed: int = 0) -> dict:
    key = jax.random.key(seed)
    k1, k2 = jax.random.split(key)
    logits = jax.random.normal(k1, (65536, 1000), dtype=jnp.float32)
    labels = jax.random.randint(k2, (65536,), 0, 1000, dtype=jnp.int64 if jax.config.jax_enable_x64 else jnp.int32)
    return {"logits": logits, "labels": labels}


def reference(logits, labels):
    # Faithful translation of _ECELoss.forward (plotting side-effects omitted;
    # they do not contribute to the returned tensor).
    softmaxes = jax.nn.softmax(logits, axis=1)
    confidences = jnp.max(softmaxes, axis=1)
    predictions = jnp.argmax(softmaxes, axis=1)
    accuracies = (predictions == labels).astype(jnp.float32)

    boundaries = np.linspace(0.0, 1.0, N_BINS + 1)
    bin_lowers = boundaries[:-1]
    bin_uppers = boundaries[1:]

    n = confidences.shape[0]
    ece = jnp.zeros((1,), dtype=logits.dtype)
    for lo, hi in zip(bin_lowers, bin_uppers):
        in_bin = ((confidences > float(lo)) & (confidences <= float(hi))).astype(jnp.float32)
        count = jnp.sum(in_bin)
        prop_in_bin = count / n
        safe = jnp.maximum(count, 1.0)
        accuracy_in_bin = jnp.sum(accuracies * in_bin) / safe
        avg_confidence_in_bin = jnp.sum(confidences * in_bin) / safe
        gap = jnp.abs(avg_confidence_in_bin - accuracy_in_bin) * prop_in_bin
        ece = ece + jnp.where(count > 0, gap, jnp.zeros_like(gap))
    return ece

if __name__ == "__main__":
    import jax
    _d = setup_inputs()
    print(jax.jit(kernel)(*tuple(_d.values())))

</pallas_src>

<mosaic_0001>
#map = affine_map<(d0, d1) -> (0)>
#map1 = affine_map<(d0, d1) -> (0, 0, 0)>
module attributes {stable_mosaic.version = 14 : i64} {
  func.func @sc_kernel(%arg0: i32, %arg1: i32, %arg2: memref<65536xf32, #tpu.memory_space<hbm>>, %arg3: memref<65536xf32, #tpu.memory_space<hbm>>, %arg4: memref<32x45x16xf32, #tpu.memory_space<hbm>>, %arg5: memref<2048xf32, #tpu.memory_space<vmem>>, %arg6: memref<2048xf32, #tpu.memory_space<vmem>>, %arg7: memref<45x16xf32, #tpu.memory_space<vmem>>) attributes {dimension_semantics = [#tpu.dimension_semantics<core_parallel>, #tpu.dimension_semantics<subcore_parallel>], iteration_bounds = array<i64: 2, 16>, scalar_prefetch = 0 : i64, scratch_operands = 3 : i64, tpu.core_type = #tpu.core_type<sc_vector_subcore>, window_params = [{transform_indices = #map}, {transform_indices = #map}, {transform_indices = #map1}]} {
    %mul3A = arith.constant 2 : i32
    %mul3A_0 = arith.muli %arg1, %mul3A : i32
    %add3A = arith.addi %mul3A_0, %arg0 : i32
    %mul3A_1 = arith.constant 2048 : i32
    %mul3A_2 = arith.muli %add3A, %mul3A_1 : i32
    "tpu.region"() ({
      %run_scoped3A = tpu.sem_alloc : memref<!tpu.dma_semaphore, #tpu.memory_space<semaphore_mem>>
      %dma_start3A = tpu.memref_slice %arg2[%mul3A_2] : memref<65536xf32, #tpu.memory_space<hbm>> -> memref<2048xf32, #tpu.memory_space<hbm>>
      %dma_start3A_280 = tpu.memref_slice %arg2[%mul3A_2] : memref<65536xf32, #tpu.memory_space<hbm>> -> memref<2048xf32, #tpu.memory_space<hbm>>
      tpu.enqueue_dma source(%dma_start3A_280 : memref<2048xf32, #tpu.memory_space<hbm>>) target(%arg5 : memref<2048xf32, #tpu.memory_space<vmem>>) target_semaphore(%run_scoped3A : memref<!tpu.dma_semaphore, #tpu.memory_space<semaphore_mem>>)
      %dma_wait3A = tpu.memref_slice %arg2[%mul3A_2] : memref<65536xf32, #tpu.memory_space<hbm>> -> memref<2048xf32, #tpu.memory_space<hbm>>
      %dma_wait3A_281 = tpu.memref_slice %arg2[%mul3A_2] : memref<65536xf32, #tpu.memory_space<hbm>> -> memref<2048xf32, #tpu.memory_space<hbm>>
      tpu.wait_dma2 semaphore(%run_scoped3A : memref<!tpu.dma_semaphore, #tpu.memory_space<semaphore_mem>>) src(%dma_wait3A_281 : memref<2048xf32, #tpu.memory_space<hbm>>) dst(%arg5 : memref<2048xf32, #tpu.memory_space<vmem>>)
      tpu.yield
    }) : () -> ()
    %mul3A_3 = arith.constant 2048 : i32
    %mul3A_4 = arith.muli %add3A, %mul3A_3 : i32
    "tpu.region"() ({
      %run_scoped3A = tpu.sem_alloc : memref<!tpu.dma_semaphore, #tpu.memory_space<semaphore_mem>>
      %dma_start3A = tpu.memref_slice %arg3[%mul3A_4] : memref<65536xf32, #tpu.memory_space<hbm>> -> memref<2048xf32, #tpu.memory_space<hbm>>
      %dma_start3A_280 = tpu.memref_slice %arg3[%mul3A_4] : memref<65536xf32, #tpu.memory_space<hbm>> -> memref<2048xf32, #tpu.memory_space<hbm>>
      tpu.enqueue_dma source(%dma_start3A_280 : memref<2048xf32, #tpu.memory_space<hbm>>) target(%arg6 : memref<2048xf32, #tpu.memory_space<vmem>>) target_semaphore(%run_scoped3A : memref<!tpu.dma_semaphore, #tpu.memory_space<semaphore_mem>>)
      %dma_wait3A = tpu.memref_slice %arg3[%mul3A_4] : memref<65536xf32, #tpu.memory_space<hbm>> -> memref<2048xf32, #tpu.memory_space<hbm>>
      %dma_wait3A_281 = tpu.memref_slice %arg3[%mul3A_4] : memref<65536xf32, #tpu.memory_space<hbm>> -> memref<2048xf32, #tpu.memory_space<hbm>>
      tpu.wait_dma2 semaphore(%run_scoped3A : memref<!tpu.dma_semaphore, #tpu.memory_space<semaphore_mem>>) src(%dma_wait3A_281 : memref<2048xf32, #tpu.memory_space<hbm>>) dst(%arg6 : memref<2048xf32, #tpu.memory_space<vmem>>)
      tpu.yield
    }) : () -> ()
    %broadcast_in_dim3A = arith.constant 0.000000e+00 : f32
    %broadcast_in_dim3A_5 = vector.broadcast %broadcast_in_dim3A : f32 to vector<16xf32>
    %swap3A = arith.constant 0 : i32
    %swap3A_6 = arith.index_cast %swap3A : i32 to index
    %swap3A_7 = arith.constant 0 : index
    %swap3A_8 = tpu.vector_load %arg7[%swap3A_6, %swap3A_7] {strides = array<i32>} : memref<45x16xf32, #tpu.memory_space<vmem>>, vector<1x16xf32>,
    %swap3A_9 = vector.shape_cast %swap3A_8 : vector<1x16xf32> to vector<16xf32>
    %swap3A_10 = vector.shape_cast %broadcast_in_dim3A_5 : vector<16xf32> to vector<1x16xf32>
    tpu.vector_store %arg7[%swap3A_6, %swap3A_7], %swap3A_10 {strides = array<i32>} : memref<45x16xf32, #tpu.memory_space<vmem>>, vector<1x16xf32>,
    %swap3A_11 = arith.constant 1 : i32
    %swap3A_12 = arith.index_cast %swap3A_11 : i32 to index
    %swap3A_13 = arith.constant 0 : index
    %swap3A_14 = tpu.vector_load %arg7[%swap3A_12, %swap3A_13] {strides = array<i32>} : memref<45x16xf32, #tpu.memory_space<vmem>>, vector<1x16xf32>,
    %swap3A_15 = vector.shape_cast %swap3A_14 : vector<1x16xf32> to vector<16xf32>
    %swap3A_16 = vector.shape_cast %broadcast_in_dim3A_5 : vector<16xf32> to vector<1x16xf32>
    tpu.vector_store %arg7[%swap3A_12, %swap3A_13], %swap3A_16 {strides = array<i32>} : memref<45x16xf32, #tpu.memory_space<vmem>>, vector<1x16xf32>,
    %swap3A_17 = arith.constant 2 : i32
    %swap3A_18 = arith.index_cast %swap3A_17 : i32 to index
    %swap3A_19 = arith.constant 0 : index
    %swap3A_20 = tpu.vector_load %arg7[%swap3A_18, %swap3A_19] {strides = array<i32>} : memref<45x16xf32, #tpu.memory_space<vmem>>, vector<1x16xf32>,
    %swap3A_21 = vector.shape_cast %swap3A_20 : vector<1x16xf32> to vector<16xf32>
    %swap3A_22 = vector.shape_cast %broadcast_in_dim3A_5 : vector<16xf32> to vector<1x16xf32>
    tpu.vector_store %arg7[%swap3A_18, %swap3A_19], %swap3A_22 {strides = array<i32>} : memref<45x16xf32, #tpu.memory_space<vmem>>, vector<1x16xf32>,
    %swap3A_23 = arith.constant 3 : i32
    %swap3A_24 = arith.index_cast %swap3A_23 : i32 to index
    %swap3A_25 = arith.constant 0 : index
    %swap3A_26 = tpu.vector_load %arg7[%swap3A_24, %swap3A_25] {strides = array<i32>} : memref<45x16xf32, #tpu.memory_space<vmem>>, vector<1x16xf32>,
    %swap3A_27 = vector.shape_cast %swap3A_26 : vector<1x16xf32> to vector<16xf32>
    %swap3A_28 = vector.shape_cast %broadcast_in_dim3A_5 : vector<16xf32> to vector<1x16xf32>
    tpu.vector_store %arg7[%swap3A_24, %swap3A_25], %swap3A_28 {strides = array<i32>} : memref<45x16xf32, #tpu.memory_space<vmem>>, vector<1x16xf32>,
    %swap3A_29 = arith.constant 4 : i32
    %swap3A_30 = arith.index_cast %swap3A_29 : i32 to index
    %swap3A_31 = arith.constant 0 : index
    %swap3A_32 = tpu.vector_load %arg7[%swap3A_30, %swap3A_31] {strides = array<i32>} : memref<45x16xf32, #tpu.memory_space<vmem>>, vector<1x16xf32>,
    %swap3A_33 = vector.shape_cast %swap3A_32 : vector<1x16xf32> to vector<16xf32>
    %swap3A_34 = vector.shape_cast %broadcast_in_dim3A_5 : vector<16xf32> to vector<1x16xf32>
    tpu.vector_store %arg7[%swap3A_30, %swap3A_31], %swap3A_34 {strides = array<i32>} : memref<45x16xf32, #tpu.memory_space<vmem>>, vector<1x16xf32>,
    %swap3A_35 = arith.constant 5 : i32
    %swap3A_36 = arith.index_cast %swap3A_35 : i32 to index
    %swap3A_37 = arith.constant 0 : index
    %swap3A_38 = tpu.vector_load %arg7[%swap3A_36, %swap3A_37] {strides = array<i32>} : memref<45x16xf32, #tpu.memory_space<vmem>>, vector<1x16xf32>,
    %swap3A_39 = vector.shape_cast %swap3A_38 : vector<1x16xf32> to vector<16xf32>
    %swap3A_40 = vector.shape_cast %broadcast_in_dim3A_5 : vector<16xf32> to vector<1x16xf32>
    tpu.vector_store %arg7[%swap3A_36, %swap3A_37], %swap3A_40 {strides = array<i32>} : memref<45x16xf32, #tpu.memory_space<vmem>>, vector<1x16xf32>,
    %swap3A_41 = arith.constant 6 : i32
    %swap3A_42 = arith.index_cast %swap3A_41 : i32 to index
    %swap3A_43 = arith.constant 0 : index
    %swap3A_44 = tpu.vector_load %arg7[%swap3A_42, %swap3A_43] {strides = array<i32>} : memref<45x16xf32, #tpu.memory_space<vmem>>, vector<1x16xf32>,
    %swap3A_45 = vector.shape_cast %swap3A_44 : vector<1x16xf32> to vector<16xf32>
    %swap3A_46 = vector.shape_cast %broadcast_in_dim3A_5 : vector<16xf32> to vector<1x16xf32>
    tpu.vector_store %arg7[%swap3A_42, %swap3A_43], %swap3A_46 {strides = array<i32>} : memref<45x16xf32, #tpu.memory_space<vmem>>, vector<1x16xf32>,
    %swap3A_47 = arith.constant 7 : i32
    %swap3A_48 = arith.index_cast %swap3A_47 : i32 to index
    %swap3A_49 = arith.constant 0 : index
    %swap3A_50 = tpu.vector_load %arg7[%swap3A_48, %swap3A_49] {strides = array<i32>} : memref<45x16xf32, #tpu.memory_space<vmem>>, vector<1x16xf32>,
    %swap3A_51 = vector.shape_cast %swap3A_50 : vector<1x16xf32> to vector<16xf32>
    %swap3A_52 = vector.shape_cast %broadcast_in_dim3A_5 : vector<16xf32> to vector<1x16xf32>
    tpu.vector_store %arg7[%swap3A_48, %swap3A_49], %swap3A_52 {strides = array<i32>} : memref<45x16xf32, #tpu.memory_space<vmem>>, vector<1x16xf32>,
    %swap3A_53 = arith.constant 8 : i32
    %swap3A_54 = arith.index_cast %swap3A_53 : i32 to index
    %swap3A_55 = arith.constant 0 : index
    %swap3A_56 = tpu.vector_load %arg7[%swap3A_54, %swap3A_55] {strides = array<i32>} : memref<45x16xf32, #tpu.memory_space<vmem>>, vector<1x16xf32>,
    %swap3A_57 = vector.shape_cast %swap3A_56 : vector<1x16xf32> to vector<16xf32>
    %swap3A_58 = vector.shape_cast %broadcast_in_dim3A_5 : vector<16xf32> to vector<1x16xf32>
    tpu.vector_store %arg7[%swap3A_54, %swap3A_55], %swap3A_58 {strides = array<i32>} : memref<45x16xf32, #tpu.memory_space<vmem>>, vector<1x16xf32>,
    %swap3A_59 = arith.constant 9 : i32
    %swap3A_60 = arith.index_cast %swap3A_59 : i32 to index
    %swap3A_61 = arith.constant 0 : index
    %swap3A_62 = tpu.vector_load %arg7[%swap3A_60, %swap3A_61] {strides = array<i32>} : memref<45x16xf32, #tpu.memory_space<vmem>>, vector<1x16xf32>,
    %swap3A_63 = vector.shape_cast %swap3A_62 : vector<1x16xf32> to vector<16xf32>
    %swap3A_64 = vector.shape_cast %broadcast_in_dim3A_5 : vector<16xf32> to vector<1x16xf32>
    tpu.vector_store %arg7[%swap3A_60, %swap3A_61], %swap3A_64 {strides = array<i32>} : memref<45x16xf32, #tpu.memory_space<vmem>>, vector<1x16xf32>,
    %swap3A_65 = arith.constant 10 : i32
    %swap3A_66 = arith.index_cast %swap3A_65 : i32 to index
    %swap3A_67 = arith.constant 0 : index
    %swap3A_68 = tpu.vector_load %arg7[%swap3A_66, %swap3A_67] {strides = array<i32>} : memref<45x16xf32, #tpu.memory_space<vmem>>, vector<1x16xf32>,
    %swap3A_69 = vector.shape_cast %swap3A_68 : vector<1x16xf32> to vector<16xf32>
    %swap3A_70 = vector.shape_cast %broadcast_in_dim3A_5 : vector<16xf32> to vector<1x16xf32>
    tpu.vector_store %arg7[%swap3A_66, %swap3A_67], %swap3A_70 {strides = array<i32>} : memref<45x16xf32, #tpu.memory_space<vmem>>, vector<1x16xf32>,
    %swap3A_71 = arith.constant 11 : i32
    %swap3A_72 = arith.index_cast %swap3A_71 : i32 to index
    %swap3A_73 = arith.constant 0 : index
    %swap3A_74 = tpu.vector_load %arg7[%swap3A_72, %swap3A_73] {strides = array<i32>} : memref<45x16xf32, #tpu.memory_space<vmem>>, vector<1x16xf32>,
    %swap3A_75 = vector.shape_cast %swap3A_74 : vector<1x16xf32> to vector<16xf32>
    %swap3A_76 = vector.shape_cast %broadcast_in_dim3A_5 : vector<16xf32> to vector<1x16xf32>
    tpu.vector_store %arg7[%swap3A_72, %swap3A_73], %swap3A_76 {strides = array<i32>} : memref<45x16xf32, #tpu.memory_space<vmem>>, vector<1x16xf32>,
    %swap3A_77 = arith.constant 12 : i32
    %swap3A_78 = arith.index_cast %swap3A_77 : i32 to index
    %swap3A_79 = arith.constant 0 : index
    %swap3A_80 = tpu.vector_load %arg7[%swap3A_78, %swap3A_79] {strides = array<i32>} : memref<45x16xf32, #tpu.memory_space<vmem>>, vector<1x16xf32>,
    %swap3A_81 = vector.shape_cast %swap3A_80 : vector<1x16xf32> to vector<16xf32>
    %swap3A_82 = vector.shape_cast %broadcast_in_dim3A_5 : vector<16xf32> to vector<1x16xf32>
    tpu.vector_store %arg7[%swap3A_78, %swap3A_79], %swap3A_82 {strides = array<i32>} : memref<45x16xf32, #tpu.memory_space<vmem>>, vector<1x16xf32>,
    %swap3A_83 = arith.constant 13 : i32
    %swap3A_84 = arith.index_cast %swap3A_83 : i32 to index
    %swap3A_85 = arith.constant 0 : index
    %swap3A_86 = tpu.vector_load %arg7[%swap3A_84, %swap3A_85] {strides = array<i32>} : memref<45x16xf32, #tpu.memory_space<vmem>>, vector<1x16xf32>,
    %swap3A_87 = vector.shape_cast %swap3A_86 : vector<1x16xf32> to vector<16xf32>
    %swap3A_88 = vector.shape_cast %broadcast_in_dim3A_5 : vector<16xf32> to vector<1x16xf32>
    tpu.vector_store %arg7[%swap3A_84, %swap3A_85], %swap3A_88 {strides = array<i32>} : memref<45x16xf32, #tpu.memory_space<vmem>>, vector<1x16xf32>,
    %swap3A_89 = arith.constant 14 : i32
    %swap3A_90 = arith.index_cast %swap3A_89 : i32 to index
    %swap3A_91 = arith.constant 0 : index
    %swap3A_92 = tpu.vector_load %arg7[%swap3A_90, %swap3A_91] {strides = array<i32>} : memref<45x16xf32, #tpu.memory_space<vmem>>, vector<1x16xf32>,
    %swap3A_93 = vector.shape_cast %swap3A_92 : vector<1x16xf32> to vector<16xf32>
    %swap3A_94 = vector.shape_cast %broadcast_in_dim3A_5 : vector<16xf32> to vector<1x16xf32>
    tpu.vector_store %arg7[%swap3A_90, %swap3A_91], %swap3A_94 {strides = array<i32>} : memref<45x16xf32, #tpu.memory_space<vmem>>, vector<1x16xf32>,
    %swap3A_95 = arith.constant 15 : i32
    %swap3A_96 = arith.index_cast %swap3A_95 : i32 to index
    %swap3A_97 = arith.constant 0 : index
    %swap3A_98 = tpu.vector_load %arg7[%swap3A_96, %swap3A_97] {strides = array<i32>} : memref<45x16xf32, #tpu.memory_space<vmem>>, vector<1x16xf32>,
    %swap3A_99 = vector.shape_cast %swap3A_98 : vector<1x16xf32> to vector<16xf32>
    %swap3A_100 = vector.shape_cast %broadcast_in_dim3A_5 : vector<16xf32> to vector<1x16xf32>
    tpu.vector_store %arg7[%swap3A_96, %swap3A_97], %swap3A_100 {strides = array<i32>} : memref<45x16xf32, #tpu.memory_space<vmem>>, vector<1x16xf32>,
    %swap3A_101 = arith.constant 16 : i32
    %swap3A_102 = arith.index_cast %swap3A_101 : i32 to index
    %swap3A_103 = arith.constant 0 : index
    %swap3A_104 = tpu.vector_load %arg7[%swap3A_102, %swap3A_103] {strides = array<i32>} : memref<45x16xf32, #tpu.memory_space<vmem>>, vector<1x16xf32>,
    %swap3A_105 = vector.shape_cast %swap3A_104 : vector<1x16xf32> to vector<16xf32>
    %swap3A_106 = vector.shape_cast %broadcast_in_dim3A_5 : vector<16xf32> to vector<1x16xf32>
    tpu.vector_store %arg7[%swap3A_102, %swap3A_103], %swap3A_106 {strides = array<i32>} : memref<45x16xf32, #tpu.memory_space<vmem>>, vector<1x16xf32>,
    %swap3A_107 = arith.constant 17 : i32
    %swap3A_108 = arith.index_cast %swap3A_107 : i32 to index
    %swap3A_109 = arith.constant 0 : index
    %swap3A_110 = tpu.vector_load %arg7[%swap3A_108, %swap3A_109] {strides = array<i32>} : memref<45x16xf32, #tpu.memory_space<vmem>>, vector<1x16xf32>,
    %swap3A_111 = vector.shape_cast %swap3A_110 : vector<1x16xf32> to vector<16xf32>
    %swap3A_112 = vector.shape_cast %broadcast_in_dim3A_5 : vector<16xf32> to vector<1x16xf32>
    tpu.vector_store %arg7[%swap3A_108, %swap3A_109], %swap3A_112 {strides = array<i32>} : memref<45x16xf32, #tpu.memory_space<vmem>>, vector<1x16xf32>,
    %swap3A_113 = arith.constant 18 : i32
    %swap3A_114 = arith.index_cast %swap3A_113 : i32 to index
    %swap3A_115 = arith.constant 0 : index
    %swap3A_116 = tpu.vector_load %arg7[%swap3A_114, %swap3A_115] {strides = array<i32>} : memref<45x16xf32, #tpu.memory_space<vmem>>, vector<1x16xf32>,
    %swap3A_117 = vector.shape_cast %swap3A_116 : vector<1x16xf32> to vector<16xf32>
    %swap3A_118 = vector.shape_cast %broadcast_in_dim3A_5 : vector<16xf32> to vector<1x16xf32>
    tpu.vector_store %arg7[%swap3A_114, %swap3A_115], %swap3A_118 {strides = array<i32>} : memref<45x16xf32, #tpu.memory_space<vmem>>, vector<1x16xf32>,
    %swap3A_119 = arith.constant 19 : i32
    %swap3A_120 = arith.index_cast %swap3A_119 : i32 to index
    %swap3A_121 = arith.constant 0 : index
    %swap3A_122 = tpu.vector_load %arg7[%swap3A_120, %swap3A_121] {strides = array<i32>} : memref<45x16xf32, #tpu.memory_space<vmem>>, vector<1x16xf32>,
    %swap3A_123 = vector.shape_cast %swap3A_122 : vector<1x16xf32> to vector<16xf32>
    %swap3A_124 = vector.shape_cast %broadcast_in_dim3A_5 : vector<16xf32> to vector<1x16xf32>
    tpu.vector_store %arg7[%swap3A_120, %swap3A_121], %swap3A_124 {strides = array<i32>} : memref<45x16xf32, #tpu.memory_space<vmem>>, vector<1x16xf32>,
    %swap3A_125 = arith.constant 20 : i32
    %swap3A_126 = arith.index_cast %swap3A_125 : i32 to index
    %swap3A_127 = arith.constant 0 : index
    %swap3A_128 = tpu.vector_load %arg7[%swap3A_126, %swap3A_127] {strides = array<i32>} : memref<45x16xf32, #tpu.memory_space<vmem>>, vector<1x16xf32>,
    %swap3A_129 = vector.shape_cast %swap3A_128 : vector<1x16xf32> to vector<16xf32>
    %swap3A_130 = vector.shape_cast %broadcast_in_dim3A_5 : vector<16xf32> to vector<1x16xf32>
    tpu.vector_store %arg7[%swap3A_126, %swap3A_127], %swap3A_130 {strides = array<i32>} : memref<45x16xf32, #tpu.memory_space<vmem>>, vector<1x16xf32>,
    %swap3A_131 = arith.constant 21 : i32
    %swap3A_132 = arith.index_cast %swap3A_131 : i32 to index
    %swap3A_133 = arith.constant 0 : index
    %swap3A_134 = tpu.vector_load %arg7[%swap3A_132, %swap3A_133] {strides = array<i32>} : memref<45x16xf32, #tpu.memory_space<vmem>>, vector<1x16xf32>,
    %swap3A_135 = vector.shape_cast %swap3A_134 : vector<1x16xf32> to vector<16xf32>
    %swap3A_136 = vector.shape_cast %broadcast_in_dim3A_5 : vector<16xf32> to vector<1x16xf32>
    tpu.vector_store %arg7[%swap3A_132, %swap3A_133], %swap3A_136 {strides = array<i32>} : memref<45x16xf32, #tpu.memory_space<vmem>>, vector<1x16xf32>,
    %swap3A_137 = arith.constant 22 : i32
    %swap3A_138 = arith.index_cast %swap3A_137 : i32 to index
    %swap3A_139 = arith.constant 0 : index
    %swap3A_140 = tpu.vector_load %arg7[%swap3A_138, %swap3A_139] {strides = array<i32>} : memref<45x16xf32, #tpu.memory_space<vmem>>, vector<1x16xf32>,
    %swap3A_141 = vector.shape_cast %swap3A_140 : vector<1x16xf32> to vector<16xf32>
    %swap3A_142 = vector.shape_cast %broadcast_in_dim3A_5 : vector<16xf32> to vector<1x16xf32>
    tpu.vector_store %arg7[%swap3A_138, %swap3A_139], %swap3A_142 {strides = array<i32>} : memref<45x16xf32, #tpu.memory_space<vmem>>, vector<1x16xf32>,
    %swap3A_143 = arith.constant 23 : i32
    %swap3A_144 = arith.index_cast %swap3A_143 : i32 to index
    %swap3A_145 = arith.constant 0 : index
    %swap3A_146 = tpu.vector_load %arg7[%swap3A_144, %swap3A_145] {strides = array<i32>} : memref<45x16xf32, #tpu.memory_space<vmem>>, vector<1x16xf32>,
    %swap3A_147 = vector.shape_cast %swap3A_146 : vector<1x16xf32> to vector<16xf32>
    %swap3A_148 = vector.shape_cast %broadcast_in_dim3A_5 : vector<16xf32> to vector<1x16xf32>
    tpu.vector_store %arg7[%swap3A_144, %swap3A_145], %swap3A_148 {strides = array<i32>} : memref<45x16xf32, #tpu.memory_space<vmem>>, vector<1x16xf32>,
    %swap3A_149 = arith.constant 24 : i32
    %swap3A_150 = arith.index_cast %swap3A_149 : i32 to index
    %swap3A_151 = arith.constant 0 : index
    %swap3A_152 = tpu.vector_load %arg7[%swap3A_150, %swap3A_151] {strides = array<i32>} : memref<45x16xf32, #tpu.memory_space<vmem>>, vector<1x16xf32>,
    %swap3A_153 = vector.shape_cast %swap3A_152 : vector<1x16xf32> to vector<16xf32>
    %swap3A_154 = vector.shape_cast %broadcast_in_dim3A_5 : vector<16xf32> to vector<1x16xf32>
    tpu.vector_store %arg7[%swap3A_150, %swap3A_151], %swap3A_154 {strides = array<i32>} : memref<45x16xf32, #tpu.memory_space<vmem>>, vector<1x16xf32>,
    %swap3A_155 = arith.constant 25 : i32
    %swap3A_156 = arith.index_cast %swap3A_155 : i32 to index
    %swap3A_157 = arith.constant 0 : index
    %swap3A_158 = tpu.vector_load %arg7[%swap3A_156, %swap3A_157] {strides = array<i32>} : memref<45x16xf32, #tpu.memory_space<vmem>>, vector<1x16xf32>,
    %swap3A_159 = vector.shape_cast %swap3A_158 : vector<1x16xf32> to vector<16xf32>
    %swap3A_160 = vector.shape_cast %broadcast_in_dim3A_5 : vector<16xf32> to vector<1x16xf32>
    tpu.vector_store %arg7[%swap3A_156, %swap3A_157], %swap3A_160 {strides = array<i32>} : memref<45x16xf32, #tpu.memory_space<vmem>>, vector<1x16xf32>,
    %swap3A_161 = arith.constant 26 : i32
    %swap3A_162 = arith.index_cast %swap3A_161 : i32 to index
    %swap3A_163 = arith.constant 0 : index
    %swap3A_164 = tpu.vector_load %arg7[%swap3A_162, %swap3A_163] {strides = array<i32>} : memref<45x16xf32, #tpu.memory_space<vmem>>, vector<1x16xf32>,
    %swap3A_165 = vector.shape_cast %swap3A_164 : vector<1x16xf32> to vector<16xf32>
    %swap3A_166 = vector.shape_cast %broadcast_in_dim3A_5 : vector<16xf32> to vector<1x16xf32>
    tpu.vector_store %arg7[%swap3A_162, %swap3A_163], %swap3A_166 {strides = array<i32>} : memref<45x16xf32, #tpu.memory_space<vmem>>, vector<1x16xf32>,
    %swap3A_167 = arith.constant 27 : i32
    %swap3A_168 = arith.index_cast %swap3A_167 : i32 to index
    %swap3A_169 = arith.constant 0 : index
    %swap3A_170 = tpu.vector_load %arg7[%swap3A_168, %swap3A_169] {strides = array<i32>} : memref<45x16xf32, #tpu.memory_space<vmem>>, vector<1x16xf32>,
    %swap3A_171 = vector.shape_cast %swap3A_170 : vector<1x16xf32> to vector<16xf32>
    %swap3A_172 = vector.shape_cast %broadcast_in_dim3A_5 : vector<16xf32> to vector<1x16xf32>
    tpu.vector_store %arg7[%swap3A_168, %swap3A_169], %swap3A_172 {strides = array<i32>} : memref<45x16xf32, #tpu.memory_space<vmem>>, vector<1x16xf32>,
    %swap3A_173 = arith.constant 28 : i32
    %swap3A_174 = arith.index_cast %swap3A_173 : i32 to index
    %swap3A_175 = arith.constant 0 : index
    %swap3A_176 = tpu.vector_load %arg7[%swap3A_174, %swap3A_175] {strides = array<i32>} : memref<45x16xf32, #tpu.memory_space<vmem>>, vector<1x16xf32>,
    %swap3A_177 = vector.shape_cast %swap3A_176 : vector<1x16xf32> to vector<16xf32>
    %swap3A_178 = vector.shape_cast %broadcast_in_dim3A_5 : vector<16xf32> to vector<1x16xf32>
    tpu.vector_store %arg7[%swap3A_174, %swap3A_175], %swap3A_178 {strides = array<i32>} : memref<45x16xf32, #tpu.memory_space<vmem>>, vector<1x16xf32>,
    %swap3A_179 = arith.constant 29 : i32
    %swap3A_180 = arith.index_cast %swap3A_179 : i32 to index
    %swap3A_181 = arith.constant 0 : index
    %swap3A_182 = tpu.vector_load %arg7[%swap3A_180, %swap3A_181] {strides = array<i32>} : memref<45x16xf32, #tpu.memory_space<vmem>>, vector<1x16xf32>,
    %swap3A_183 = vector.shape_cast %swap3A_182 : vector<1x16xf32> to vector<16xf32>
    %swap3A_184 = vector.shape_cast %broadcast_in_dim3A_5 : vector<16xf32> to vector<1x16xf32>
    tpu.vector_store %arg7[%swap3A_180, %swap3A_181], %swap3A_184 {strides = array<i32>} : memref<45x16xf32, #tpu.memory_space<vmem>>, vector<1x16xf32>,
    %swap3A_185 = arith.constant 30 : i32
    %swap3A_186 = arith.index_cast %swap3A_185 : i32 to index
    %swap3A_187 = arith.constant 0 : index
    %swap3A_188 = tpu.vector_load %arg7[%swap3A_186, %swap3A_187] {strides = array<i32>} : memref<45x16xf32, #tpu.memory_space<vmem>>, vector<1x16xf32>,
    %swap3A_189 = vector.shape_cast %swap3A_188 : vector<1x16xf32> to vector<16xf32>
    %swap3A_190 = vector.shape_cast %broadcast_in_dim3A_5 : vector<16xf32> to vector<1x16xf32>
    tpu.vector_store %arg7[%swap3A_186, %swap3A_187], %swap3A_190 {strides = array<i32>} : memref<45x16xf32, #tpu.memory_space<vmem>>, vector<1x16xf32>,
    %swap3A_191 = arith.constant 31 : i32
    %swap3A_192 = arith.index_cast %swap3A_191 : i32 to index
    %swap3A_193 = arith.constant 0 : index
    %swap3A_194 = tpu.vector_load %arg7[%swap3A_192, %swap3A_193] {strides = array<i32>} : memref<45x16xf32, #tpu.memory_space<vmem>>, vector<1x16xf32>,
    %swap3A_195 = vector.shape_cast %swap3A_194 : vector<1x16xf32> to vector<16xf32>
    %swap3A_196 = vector.shape_cast %broadcast_in_dim3A_5 : vector<16xf32> to vector<1x16xf32>
    tpu.vector_store %arg7[%swap3A_192, %swap3A_193], %swap3A_196 {strides = array<i32>} : memref<45x16xf32, #tpu.memory_space<vmem>>, vector<1x16xf32>,
    %swap3A_197 = arith.constant 32 : i32
    %swap3A_198 = arith.index_cast %swap3A_197 : i32 to index
    %swap3A_199 = arith.constant 0 : index
    %swap3A_200 = tpu.vector_load %arg7[%swap3A_198, %swap3A_199] {strides = array<i32>} : memref<45x16xf32, #tpu.memory_space<vmem>>, vector<1x16xf32>,
    %swap3A_201 = vector.shape_cast %swap3A_200 : vector<1x16xf32> to vector<16xf32>
    %swap3A_202 = vector.shape_cast %broadcast_in_dim3A_5 : vector<16xf32> to vector<1x16xf32>
    tpu.vector_store %arg7[%swap3A_198, %swap3A_199], %swap3A_202 {strides = array<i32>} : memref<45x16xf32, #tpu.memory_space<vmem>>, vector<1x16xf32>,
    %swap3A_203 = arith.constant 33 : i32
    %swap3A_204 = arith.index_cast %swap3A_203 : i32 to index
    %swap3A_205 = arith.constant 0 : index
    %swap3A_206 = tpu.vector_load %arg7[%swap3A_204, %swap3A_205] {strides = array<i32>} : memref<45x16xf32, #tpu.memory_space<vmem>>, vector<1x16xf32>,
    %swap3A_207 = vector.shape_cast %swap3A_206 : vector<1x16xf32> to vector<16xf32>
    %swap3A_208 = vector.shape_cast %broadcast_in_dim3A_5 : vector<16xf32> to vector<1x16xf32>
    tpu.vector_store %arg7[%swap3A_204, %swap3A_205], %swap3A_208 {strides = array<i32>} : memref<45x16xf32, #tpu.memory_space<vmem>>, vector<1x16xf32>,
    %swap3A_209 = arith.constant 34 : i32
    %swap3A_210 = arith.index_cast %swap3A_209 : i32 to index
    %swap3A_211 = arith.constant 0 : index
    %swap3A_212 = tpu.vector_load %arg7[%swap3A_210, %swap3A_211] {strides = array<i32>} : memref<45x16xf32, #tpu.memory_space<vmem>>, vector<1x16xf32>,
    %swap3A_213 = vector.shape_cast %swap3A_212 : vector<1x16xf32> to vector<16xf32>
    %swap3A_214 = vector.shape_cast %broadcast_in_dim3A_5 : vector<16xf32> to vector<1x16xf32>
    tpu.vector_store %arg7[%swap3A_210, %swap3A_211], %swap3A_214 {strides = array<i32>} : memref<45x16xf32, #tpu.memory_space<vmem>>, vector<1x16xf32>,
    %swap3A_215 = arith.constant 35 : i32
    %swap3A_216 = arith.index_cast %swap3A_215 : i32 to index
    %swap3A_217 = arith.constant 0 : index
    %swap3A_218 = tpu.vector_load %arg7[%swap3A_216, %swap3A_217] {strides = array<i32>} : memref<45x16xf32, #tpu.memory_space<vmem>>, vector<1x16xf32>,
    %swap3A_219 = vector.shape_cast %swap3A_218 : vector<1x16xf32> to vector<16xf32>
    %swap3A_220 = vector.shape_cast %broadcast_in_dim3A_5 : vector<16xf32> to vector<1x16xf32>
    tpu.vector_store %arg7[%swap3A_216, %swap3A_217], %swap3A_220 {strides = array<i32>} : memref<45x16xf32, #tpu.memory_space<vmem>>, vector<1x16xf32>,
    %swap3A_221 = arith.constant 36 : i32
    %swap3A_222 = arith.index_cast %swap3A_221 : i32 to index
    %swap3A_223 = arith.constant 0 : index
    %swap3A_224 = tpu.vector_load %arg7[%swap3A_222, %swap3A_223] {strides = array<i32>} : memref<45x16xf32, #tpu.memory_space<vmem>>, vector<1x16xf32>,
    %swap3A_225 = vector.shape_cast %swap3A_224 : vector<1x16xf32> to vector<16xf32>
    %swap3A_226 = vector.shape_cast %broadcast_in_dim3A_5 : vector<16xf32> to vector<1x16xf32>
    tpu.vector_store %arg7[%swap3A_222, %swap3A_223], %swap3A_226 {strides = array<i32>} : memref<45x16xf32, #tpu.memory_space<vmem>>, vector<1x16xf32>,
    %swap3A_227 = arith.constant 37 : i32
    %swap3A_228 = arith.index_cast %swap3A_227 : i32 to index
    %swap3A_229 = arith.constant 0 : index
    %swap3A_230 = tpu.vector_load %arg7[%swap3A_228, %swap3A_229] {strides = array<i32>} : memref<45x16xf32, #tpu.memory_space<vmem>>, vector<1x16xf32>,
    %swap3A_231 = vector.shape_cast %swap3A_230 : vector<1x16xf32> to vector<16xf32>
    %swap3A_232 = vector.shape_cast %broadcast_in_dim3A_5 : vector<16xf32> to vector<1x16xf32>
    tpu.vector_store %arg7[%swap3A_228, %swap3A_229], %swap3A_232 {strides = array<i32>} : memref<45x16xf32, #tpu.memory_space<vmem>>, vector<1x16xf32>,
    %swap3A_233 = arith.constant 38 : i32
    %swap3A_234 = arith.index_cast %swap3A_233 : i32 to index
    %swap3A_235 = arith.constant 0 : index
    %swap3A_236 = tpu.vector_load %arg7[%swap3A_234, %swap3A_235] {strides = array<i32>} : memref<45x16xf32, #tpu.memory_space<vmem>>, vector<1x16xf32>,
    %swap3A_237 = vector.shape_cast %swap3A_236 : vector<1x16xf32> to vector<16xf32>
    %swap3A_238 = vector.shape_cast %broadcast_in_dim3A_5 : vector<16xf32> to vector<1x16xf32>
    tpu.vector_store %arg7[%swap3A_234, %swap3A_235], %swap3A_238 {strides = array<i32>} : memref<45x16xf32, #tpu.memory_space<vmem>>, vector<1x16xf32>,
    %swap3A_239 = arith.constant 39 : i32
    %swap3A_240 = arith.index_cast %swap3A_239 : i32 to index
    %swap3A_241 = arith.constant 0 : index
    %swap3A_242 = tpu.vector_load %arg7[%swap3A_240, %swap3A_241] {strides = array<i32>} : memref<45x16xf32, #tpu.memory_space<vmem>>, vector<1x16xf32>,
    %swap3A_243 = vector.shape_cast %swap3A_242 : vector<1x16xf32> to vector<16xf32>
    %swap3A_244 = vector.shape_cast %broadcast_in_dim3A_5 : vector<16xf32> to vector<1x16xf32>
    tpu.vector_store %arg7[%swap3A_240, %swap3A_241], %swap3A_244 {strides = array<i32>} : memref<45x16xf32, #tpu.memory_space<vmem>>, vector<1x16xf32>,
    %swap3A_245 = arith.constant 40 : i32
    %swap3A_246 = arith.index_cast %swap3A_245 : i32 to index
    %swap3A_247 = arith.constant 0 : index
    %swap3A_248 = tpu.vector_load %arg7[%swap3A_246, %swap3A_247] {strides = array<i32>} : memref<45x16xf32, #tpu.memory_space<vmem>>, vector<1x16xf32>,
    %swap3A_249 = vector.shape_cast %swap3A_248 : vector<1x16xf32> to vector<16xf32>
    %swap3A_250 = vector.shape_cast %broadcast_in_dim3A_5 : vector<16xf32> to vector<1x16xf32>
    tpu.vector_store %arg7[%swap3A_246, %swap3A_247], %swap3A_250 {strides = array<i32>} : memref<45x16xf32, #tpu.memory_space<vmem>>, vector<1x16xf32>,
    %swap3A_251 = arith.constant 41 : i32
    %swap3A_252 = arith.index_cast %swap3A_251 : i32 to index
    %swap3A_253 = arith.constant 0 : index
    %swap3A_254 = tpu.vector_load %arg7[%swap3A_252, %swap3A_253] {strides = array<i32>} : memref<45x16xf32, #tpu.memory_space<vmem>>, vector<1x16xf32>,
    %swap3A_255 = vector.shape_cast %swap3A_254 : vector<1x16xf32> to vector<16xf32>
    %swap3A_256 = vector.shape_cast %broadcast_in_dim3A_5 : vector<16xf32> to vector<1x16xf32>
    tpu.vector_store %arg7[%swap3A_252, %swap3A_253], %swap3A_256 {strides = array<i32>} : memref<45x16xf32, #tpu.memory_space<vmem>>, vector<1x16xf32>,
    %swap3A_257 = arith.constant 42 : i32
    %swap3A_258 = arith.index_cast %swap3A_257 : i32 to index
    %swap3A_259 = arith.constant 0 : index
    %swap3A_260 = tpu.vector_load %arg7[%swap3A_258, %swap3A_259] {strides = array<i32>} : memref<45x16xf32, #tpu.memory_space<vmem>>, vector<1x16xf32>,
    %swap3A_261 = vector.shape_cast %swap3A_260 : vector<1x16xf32> to vector<16xf32>
    %swap3A_262 = vector.shape_cast %broadcast_in_dim3A_5 : vector<16xf32> to vector<1x16xf32>
    tpu.vector_store %arg7[%swap3A_258, %swap3A_259], %swap3A_262 {strides = array<i32>} : memref<45x16xf32, #tpu.memory_space<vmem>>, vector<1x16xf32>,
    %swap3A_263 = arith.constant 43 : i32
    %swap3A_264 = arith.index_cast %swap3A_263 : i32 to index
    %swap3A_265 = arith.constant 0 : index
    %swap3A_266 = tpu.vector_load %arg7[%swap3A_264, %swap3A_265] {strides = array<i32>} : memref<45x16xf32, #tpu.memory_space<vmem>>, vector<1x16xf32>,
    %swap3A_267 = vector.shape_cast %swap3A_266 : vector<1x16xf32> to vector<16xf32>
    %swap3A_268 = vector.shape_cast %broadcast_in_dim3A_5 : vector<16xf32> to vector<1x16xf32>
    tpu.vector_store %arg7[%swap3A_264, %swap3A_265], %swap3A_268 {strides = array<i32>} : memref<45x16xf32, #tpu.memory_space<vmem>>, vector<1x16xf32>,
    %swap3A_269 = arith.constant 44 : i32
    %swap3A_270 = arith.index_cast %swap3A_269 : i32 to index
    %swap3A_271 = arith.constant 0 : index
    %swap3A_272 = tpu.vector_load %arg7[%swap3A_270, %swap3A_271] {strides = array<i32>} : memref<45x16xf32, #tpu.memory_space<vmem>>, vector<1x16xf32>,
    %swap3A_273 = vector.shape_cast %swap3A_272 : vector<1x16xf32> to vector<16xf32>
    %swap3A_274 = vector.shape_cast %broadcast_in_dim3A_5 : vector<16xf32> to vector<1x16xf32>
    tpu.vector_store %arg7[%swap3A_270, %swap3A_271], %swap3A_274 {strides = array<i32>} : memref<45x16xf32, #tpu.memory_space<vmem>>, vector<1x16xf32>,
    %scan3A = arith.constant 0 : i32
    %scan3A_275 = arith.constant 0 : i32
    %scan3A_276 = arith.constant 128 : i32
    %scan3A_277 = arith.addi %scan3A_275, %scan3A_276 : i32
    %scan3A_278 = arith.constant 1 : i32
    scf.for %scan3A_280 = %scan3A_275 to %scan3A_277 step %scan3A_278  : i32 {
      %mul3A_281 = arith.constant 16 : i32
      %mul3A_282 = arith.muli %scan3A_280, %mul3A_281 : i32
      %get3A = arith.index_cast %mul3A_282 : i32 to index
      %get3A_283 = tpu.vector_load %arg5[%get3A] {strides = array<i32>} : memref<2048xf32, #tpu.memory_space<vmem>>, vector<16xf32>,
      %get3A_284 = vector.shape_cast %get3A_283 : vector<16xf32> to vector<16xf32>
      %mul3A_285 = arith.constant 16 : i32
      %mul3A_286 = arith.muli %scan3A_280, %mul3A_285 : i32
      %get3A_287 = arith.index_cast %mul3A_286 : i32 to index
      %get3A_288 = tpu.vector_load %arg6[%get3A_287] {strides = array<i32>} : memref<2048xf32, #tpu.memory_space<vmem>>, vector<16xf32>,
      %get3A_289 = vector.shape_cast %get3A_288 : vector<16xf32> to vector<16xf32>
      %gt3A = arith.constant 0.000000e+00 : f32
      %gt3A_290 = vector.broadcast %gt3A : f32 to vector<16xf32>
      %gt3A_291 = arith.cmpf ogt, %get3A_284, %gt3A_290 : vector<16xf32>
      %le3A = arith.constant 0.0666666701 : f32
      %le3A_292 = vector.broadcast %le3A : f32 to vector<16xf32>
      %le3A_293 = arith.cmpf ole, %get3A_284, %le3A_292 : vector<16xf32>
      %and3A = arith.andi %gt3A_291, %le3A_293 : vector<16xi1>
      %jit3A = arith.constant 1.000000e+00 : f32
      %jit3A_294 = arith.constant 0.000000e+00 : f32
      %broadcast_in_dim3A_295 = vector.broadcast %jit3A : f32 to vector<16xf32>
      %broadcast_in_dim3A_296 = vector.broadcast %jit3A_294 : f32 to vector<16xf32>
      %select_n3A = arith.select %and3A, %broadcast_in_dim3A_295, %broadcast_in_dim3A_296 : vector<16xi1>, vector<16xf32>
      %swap3A_297 = arith.constant 0 : i32
      %swap3A_298 = arith.index_cast %swap3A_297 : i32 to index
      %swap3A_299 = arith.constant 0 : index
      %swap3A_300 = tpu.vector_load %arg7[%swap3A_298, %swap3A_299] {strides = array<i32>} : memref<45x16xf32, #tpu.memory_space<vmem>>, vector<1x16xf32>,
      %swap3A_301 = vector.shape_cast %swap3A_300 : vector<1x16xf32> to vector<16xf32>
      %swap3A_302 = vector.shape_cast %select_n3A : vector<16xf32> to vector<1x16xf32>
      tpu.vector_store %arg7[%swap3A_298, %swap3A_299], %swap3A_302 {add = true, strides = array<i32>} : memref<45x16xf32, #tpu.memory_space<vmem>>, vector<1x16xf32>,
      %mul3A_303 = arith.mulf %get3A_284, %select_n3A : vector<16xf32>
      %swap3A_304 = arith.constant 15 : i32
      %swap3A_305 = arith.index_cast %swap3A_304 : i32 to index
      %swap3A_306 = arith.constant 0 : index
      %swap3A_307 = tpu.vector_load %arg7[%swap3A_305, %swap3A_306] {strides = array<i32>} : memref<45x16xf32, #tpu.memory_space<vmem>>, vector<1x16xf32>,
      %swap3A_308 = vector.shape_cast %swap3A_307 : vector<1x16xf32> to vector<16xf32>
      %swap3A_309 = vector.shape_cast %mul3A_303 : vector<16xf32> to vector<1x16xf32>
      tpu.vector_store %arg7[%swap3A_305, %swap3A_306], %swap3A_309 {add = true, strides = array<i32>} : memref<45x16xf32, #tpu.memory_space<vmem>>, vector<1x16xf32>,
      %mul3A_310 = arith.mulf %get3A_289, %select_n3A : vector<16xf32>
      %swap3A_311 = arith.constant 30 : i32
      %swap3A_312 = arith.index_cast %swap3A_311 : i32 to index
      %swap3A_313 = arith.constant 0 : index
      %swap3A_314 = tpu.vector_load %arg7[%swap3A_312, %swap3A_313] {strides = array<i32>} : memref<45x16xf32, #tpu.memory_space<vmem>>, vector<1x16xf32>,
      %swap3A_315 = vector.shape_cast %swap3A_314 : vector<1x16xf32> to vector<16xf32>
      %swap3A_316 = vector.shape_cast %mul3A_310 : vector<16xf32> to vector<1x16xf32>
      tpu.vector_store %arg7[%swap3A_312, %swap3A_313], %swap3A_316 {add = true, strides = array<i32>} : memref<45x16xf32, #tpu.memory_space<vmem>>, vector<1x16xf32>,
      %gt3A_317 = arith.constant 0.0666666701 : f32
      %gt3A_318 = vector.broadcast %gt3A_317 : f32 to vector<16xf32>
      %gt3A_319 = arith.cmpf ogt, %get3A_284, %gt3A_318 : vector<16xf32>
      %le3A_320 = arith.constant 0.13333334 : f32
      %le3A_321 = vector.broadcast %le3A_320 : f32 to vector<16xf32>
      %le3A_322 = arith.cmpf ole, %get3A_284, %le3A_321 : vector<16xf32>
      %and3A_323 = arith.andi %gt3A_319, %le3A_322 : vector<16xi1>
      %jit3A_324 = arith.constant 1.000000e+00 : f32
      %jit3A_325 = arith.constant 0.000000e+00 : f32
      %broadcast_in_dim3A_326 = vector.broadcast %jit3A_324 : f32 to vector<16xf32>
      %broadcast_in_dim3A_327 = vector.broadcast %jit3A_325 : f32 to vector<16xf32>
      %select_n3A_328 = arith.select %and3A_323, %broadcast_in_dim3A_326, %broadcast_in_dim3A_327 : vector<16xi1>, vector<16xf32>
      %swap3A_329 = arith.constant 1 : i32
      %swap3A_330 = arith.index_cast %swap3A_329 : i32 to index
      %swap3A_331 = arith.constant 0 : index
      %swap3A_332 = tpu.vector_load %arg7[%swap3A_330, %swap3A_331] {strides = array<i32>} : memref<45x16xf32, #tpu.memory_space<vmem>>, vector<1x16xf32>,
      %swap3A_333 = vector.shape_cast %swap3A_332 : vector<1x16xf32> to vector<16xf32>
      %swap3A_334 = vector.shape_cast %select_n3A_328 : vector<16xf32> to vector<1x16xf32>
      tpu.vector_store %arg7[%swap3A_330, %swap3A_331], %swap3A_334 {add = true, strides = array<i32>} : memref<45x16xf32, #tpu.memory_space<vmem>>, vector<1x16xf32>,
      %mul3A_335 = arith.mulf %get3A_284, %select_n3A_328 : vector<16xf32>
      %swap3A_336 = arith.constant 16 : i32
      %swap3A_337 = arith.index_cast %swap3A_336 : i32 to index
      %swap3A_338 = arith.constant 0 : index
      %swap3A_339 = tpu.vector_load %arg7[%swap3A_337, %swap3A_338] {strides = array<i32>} : memref<45x16xf32, #tpu.memory_space<vmem>>, vector<1x16xf32>,
      %swap3A_340 = vector.shape_cast %swap3A_339 : vector<1x16xf32> to vector<16xf32>
      %swap3A_341 = vector.shape_cast %mul3A_335 : vector<16xf32> to vector<1x16xf32>
      tpu.vector_store %arg7[%swap3A_337, %swap3A_338], %swap3A_341 {add = true, strides = array<i32>} : memref<45x16xf32, #tpu.memory_space<vmem>>, vector<1x16xf32>,
      %mul3A_342 = arith.mulf %get3A_289, %select_n3A_328 : vector<16xf32>
      %swap3A_343 = arith.constant 31 : i32
      %swap3A_344 = arith.index_cast %swap3A_343 : i32 to index
      %swap3A_345 = arith.constant 0 : index
      %swap3A_346 = tpu.vector_load %arg7[%swap3A_344, %swap3A_345] {strides = array<i32>} : memref<45x16xf32, #tpu.memory_space<vmem>>, vector<1x16xf32>,
      %swap3A_347 = vector.shape_cast %swap3A_346 : vector<1x16xf32> to vector<16xf32>
      %swap3A_348 = vector.shape_cast %mul3A_342 : vector<16xf32> to vector<1x16xf32>
      tpu.vector_store %arg7[%swap3A_344, %swap3A_345], %swap3A_348 {add = true, strides = array<i32>} : memref<45x16xf32, #tpu.memory_space<vmem>>, vector<1x16xf32>,
      %gt3A_349 = arith.constant 0.13333334 : f32
      %gt3A_350 = vector.broadcast %gt3A_349 : f32 to vector<16xf32>
      %gt3A_351 = arith.cmpf ogt, %get3A_284, %gt3A_350 : vector<16xf32>
      %le3A_352 = arith.constant 2.000000e-01 : f32
      %le3A_353 = vector.broadcast %le3A_352 : f32 to vector<16xf32>
      %le3A_354 = arith.cmpf ole, %get3A_284, %le3A_353 : vector<16xf32>
      %and3A_355 = arith.andi %gt3A_351, %le3A_354 : vector<16xi1>
      %jit3A_356 = arith.constant 1.000000e+00 : f32
      %jit3A_357 = arith.constant 0.000000e+00 : f32
      %broadcast_in_dim3A_358 = vector.broadcast %jit3A_356 : f32 to vector<16xf32>
      %broadcast_in_dim3A_359 = vector.broadcast %jit3A_357 : f32 to vector<16xf32>
      %select_n3A_360 = arith.select %and3A_355, %broadcast_in_dim3A_358, %broadcast_in_dim3A_359 : vector<16xi1>, vector<16xf32>
      %swap3A_361 = arith.constant 2 : i32
      %swap3A_362 = arith.index_cast %swap3A_361 : i32 to index
      %swap3A_363 = arith.constant 0 : index
      %swap3A_364 = tpu.vector_load %arg7[%swap3A_362, %swap3A_363] {strides = array<i32>} : memref<45x16xf32, #tpu.memory_space<vmem>>, vector<1x16xf32>,
      %swap3A_365 = vector.shape_cast %swap3A_364 : vector<1x16xf32> to vector<16xf32>
      %swap3A_366 = vector.shape_cast %select_n3A_360 : vector<16xf32> to vector<1x16xf32>
      tpu.vector_store %arg7[%swap3A_362, %swap3A_363], %swap3A_366 {add = true, strides = array<i32>} : memref<45x16xf32, #tpu.memory_space<vmem>>, vector<1x16xf32>,
      %mul3A_367 = arith.mulf %get3A_284, %select_n3A_360 : vector<16xf32>
      %swap3A_368 = arith.constant 17 : i32
      %swap3A_369 = arith.index_cast %swap3A_368 : i32 to index
      %swap3A_370 = arith.constant 0 : index
      %swap3A_371 = tpu.vector_load %arg7[%swap3A_369, %swap3A_370] {strides = array<i32>} : memref<45x16xf32, #tpu.memory_space<vmem>>, vector<1x16xf32>,
      %swap3A_372 = vector.shape_cast %swap3A_371 : vector<1x16xf32> to vector<16xf32>
      %swap3A_373 = vector.shape_cast %mul3A_367 : vector<16xf32> to vector<1x16xf32>
      tpu.vector_store %arg7[%swap3A_369, %swap3A_370], %swap3A_373 {add = true, strides = array<i32>} : memref<45x16xf32, #tpu.memory_space<vmem>>, vector<1x16xf32>,
      %mul3A_374 = arith.mulf %get3A_289, %select_n3A_360 : vector<16xf32>
      %swap3A_375 = arith.constant 32 : i32
      %swap3A_376 = arith.index_cast %swap3A_375 : i32 to index
      %swap3A_377 = arith.constant 0 : index
      %swap3A_378 = tpu.vector_load %arg7[%swap3A_376, %swap3A_377] {strides = array<i32>} : memref<45x16xf32, #tpu.memory_space<vmem>>, vector<1x16xf32>,
      %swap3A_379 = vector.shape_cast %swap3A_378 : vector<1x16xf32> to vector<16xf32>
      %swap3A_380 = vector.shape_cast %mul3A_374 : vector<16xf32> to vector<1x16xf32>
      tpu.vector_store %arg7[%swap3A_376, %swap3A_377], %swap3A_380 {add = true, strides = array<i32>} : memref<45x16xf32, #tpu.memory_space<vmem>>, vector<1x16xf32>,
      %gt3A_381 = arith.constant 2.000000e-01 : f32
      %gt3A_382 = vector.broadcast %gt3A_381 : f32 to vector<16xf32>
      %gt3A_383 = arith.cmpf ogt, %get3A_284, %gt3A_382 : vector<16xf32>
      %le3A_384 = arith.constant 0.266666681 : f32
      %le3A_385 = vector.broadcast %le3A_384 : f32 to vector<16xf32>
      %le3A_386 = arith.cmpf ole, %get3A_284, %le3A_385 : vector<16xf32>
      %and3A_387 = arith.andi %gt3A_383, %le3A_386 : vector<16xi1>
      %jit3A_388 = arith.constant 1.000000e+00 : f32
      %jit3A_389 = arith.constant 0.000000e+00 : f32
      %broadcast_in_dim3A_390 = vector.broadcast %jit3A_388 : f32 to vector<16xf32>
      %broadcast_in_dim3A_391 = vector.broadcast %jit3A_389 : f32 to vector<16xf32>
      %select_n3A_392 = arith.select %and3A_387, %broadcast_in_dim3A_390, %broadcast_in_dim3A_391 : vector<16xi1>, vector<16xf32>
      %swap3A_393 = arith.constant 3 : i32
      %swap3A_394 = arith.index_cast %swap3A_393 : i32 to index
      %swap3A_395 = arith.constant 0 : index
      %swap3A_396 = tpu.vector_load %arg7[%swap3A_394, %swap3A_395] {strides = array<i32>} : memref<45x16xf32, #tpu.memory_space<vmem>>, vector<1x16xf32>,
      %swap3A_397 = vector.shape_cast %swap3A_396 : vector<1x16xf32> to vector<16xf32>
      %swap3A_398 = vector.shape_cast %select_n3A_392 : vector<16xf32> to vector<1x16xf32>
      tpu.vector_store %arg7[%swap3A_394, %swap3A_395], %swap3A_398 {add = true, strides = array<i32>} : memref<45x16xf32, #tpu.memory_space<vmem>>, vector<1x16xf32>,
      %mul3A_399 = arith.mulf %get3A_284, %select_n3A_392 : vector<16xf32>
      %swap3A_400 = arith.constant 18 : i32
      %swap3A_401 = arith.index_cast %swap3A_400 : i32 to index
      %swap3A_402 = arith.constant 0 : index
      %swap3A_403 = tpu.vector_load %arg7[%swap3A_401, %swap3A_402] {strides = array<i32>} : memref<45x16xf32, #tpu.memory_space<vmem>>, vector<1x16xf32>,
      %swap3A_404 = vector.shape_cast %swap3A_403 : vector<1x16xf32> to vector<16xf32>
      %swap3A_405 = vector.shape_cast %mul3A_399 : vector<16xf32> to vector<1x16xf32>
      tpu.vector_store %arg7[%swap3A_401, %swap3A_402], %swap3A_405 {add = true, strides = array<i32>} : memref<45x16xf32, #tpu.memory_space<vmem>>, vector<1x16xf32>,
      %mul3A_406 = arith.mulf %get3A_289, %select_n3A_392 : vector<16xf32>
      %swap3A_407 = arith.constant 33 : i32
      %swap3A_408 = arith.index_cast %swap3A_407 : i32 to index
      %swap3A_409 = arith.constant 0 : index
      %swap3A_410 = tpu.vector_load %arg7[%swap3A_408, %swap3A_409] {strides = array<i32>} : memref<45x16xf32, #tpu.memory_space<vmem>>, vector<1x16xf32>,
      %swap3A_411 = vector.shape_cast %swap3A_410 : vector<1x16xf32> to vector<16xf32>
      %swap3A_412 = vector.shape_cast %mul3A_406 : vector<16xf32> to vector<1x16xf32>
      tpu.vector_store %arg7[%swap3A_408, %swap3A_409], %swap3A_412 {add = true, strides = array<i32>} : memref<45x16xf32, #tpu.memory_space<vmem>>, vector<1x16xf32>,
      %gt3A_413 = arith.constant 0.266666681 : f32
      %gt3A_414 = vector.broadcast %gt3A_413 : f32 to vector<16xf32>
      %gt3A_415 = arith.cmpf ogt, %get3A_284, %gt3A_414 : vector<16xf32>
      %le3A_416 = arith.constant 0.333333343 : f32
      %le3A_417 = vector.broadcast %le3A_416 : f32 to vector<16xf32>
      %le3A_418 = arith.cmpf ole, %get3A_284, %le3A_417 : vector<16xf32>
      %and3A_419 = arith.andi %gt3A_415, %le3A_418 : vector<16xi1>
      %jit3A_420 = arith.constant 1.000000e+00 : f32
      %jit3A_421 = arith.constant 0.000000e+00 : f32
      %broadcast_in_dim3A_422 = vector.broadcast %jit3A_420 : f32 to vector<16xf32>
      %broadcast_in_dim3A_423 = vector.broadcast %jit3A_421 : f32 to vector<16xf32>
      %select_n3A_424 = arith.select %and3A_419, %broadcast_in_dim3A_422, %broadcast_in_dim3A_423 : vector<16xi1>, vector<16xf32>
      %swap3A_425 = arith.constant 4 : i32
      %swap3A_426 = arith.index_cast %swap3A_425 : i32 to index
      %swap3A_427 = arith.constant 0 : index
      %swap3A_428 = tpu.vector_load %arg7[%swap3A_426, %swap3A_427] {strides = array<i32>} : memref<45x16xf32, #tpu.memory_space<vmem>>, vector<1x16xf32>,
      %swap3A_429 = vector.shape_cast %swap3A_428 : vector<1x16xf32> to vector<16xf32>
      %swap3A_430 = vector.shape_cast %select_n3A_424 : vector<16xf32> to vector<1x16xf32>
      tpu.vector_store %arg7[%swap3A_426, %swap3A_427], %swap3A_430 {add = true, strides = array<i32>} : memref<45x16xf32, #tpu.memory_space<vmem>>, vector<1x16xf32>,
      %mul3A_431 = arith.mulf %get3A_284, %select_n3A_424 : vector<16xf32>
      %swap3A_432 = arith.constant 19 : i32
      %swap3A_433 = arith.index_cast %swap3A_432 : i32 to index
      %swap3A_434 = arith.constant 0 : index
      %swap3A_435 = tpu.vector_load %arg7[%swap3A_433, %swap3A_434] {strides = array<i32>} : memref<45x16xf32, #tpu.memory_space<vmem>>, vector<1x16xf32>,
      %swap3A_436 = vector.shape_cast %swap3A_435 : vector<1x16xf32> to vector<16xf32>
      %swap3A_437 = vector.shape_cast %mul3A_431 : vector<16xf32> to vector<1x16xf32>
      tpu.vector_store %arg7[%swap3A_433, %swap3A_434], %swap3A_437 {add = true, strides = array<i32>} : memref<45x16xf32, #tpu.memory_space<vmem>>, vector<1x16xf32>,
      %mul3A_438 = arith.mulf %get3A_289, %select_n3A_424 : vector<16xf32>
      %swap3A_439 = arith.constant 34 : i32
      %swap3A_440 = arith.index_cast %swap3A_439 : i32 to index
      %swap3A_441 = arith.constant 0 : index
      %swap3A_442 = tpu.vector_load %arg7[%swap3A_440, %swap3A_441] {strides = array<i32>} : memref<45x16xf32, #tpu.memory_space<vmem>>, vector<1x16xf32>,
      %swap3A_443 = vector.shape_cast %swap3A_442 : vector<1x16xf32> to vector<16xf32>
      %swap3A_444 = vector.shape_cast %mul3A_438 : vector<16xf32> to vector<1x16xf32>
      tpu.vector_store %arg7[%swap3A_440, %swap3A_441], %swap3A_444 {add = true, strides = array<i32>} : memref<45x16xf32, #tpu.memory_space<vmem>>, vector<1x16xf32>,
      %gt3A_445 = arith.constant 0.333333343 : f32
      %gt3A_446 = vector.broadcast %gt3A_445 : f32 to vector<16xf32>
      %gt3A_447 = arith.cmpf ogt, %get3A_284, %gt3A_446 : vector<16xf32>
      %le3A_448 = arith.constant 4.000000e-01 : f32
      %le3A_449 = vector.broadcast %le3A_448 : f32 to vector<16xf32>
      %le3A_450 = arith.cmpf ole, %get3A_284, %le3A_449 : vector<16xf32>
      %and3A_451 = arith.andi %gt3A_447, %le3A_450 : vector<16xi1>
      %jit3A_452 = arith.constant 1.000000e+00 : f32
      %jit3A_453 = arith.constant 0.000000e+00 : f32
      %broadcast_in_dim3A_454 = vector.broadcast %jit3A_452 : f32 to vector<16xf32>
      %broadcast_in_dim3A_455 = vector.broadcast %jit3A_453 : f32 to vector<16xf32>
      %select_n3A_456 = arith.select %and3A_451, %broadcast_in_dim3A_454, %broadcast_in_dim3A_455 : vector<16xi1>, vector<16xf32>
      %swap3A_457 = arith.constant 5 : i32
      %swap3A_458 = arith.index_cast %swap3A_457 : i32 to index
      %swap3A_459 = arith.constant 0 : index
      %swap3A_460 = tpu.vector_load %arg7[%swap3A_458, %swap3A_459] {strides = array<i32>} : memref<45x16xf32, #tpu.memory_space<vmem>>, vector<1x16xf32>,
      %swap3A_461 = vector.shape_cast %swap3A_460 : vector<1x16xf32> to vector<16xf32>
      %swap3A_462 = vector.shape_cast %select_n3A_456 : vector<16xf32> to vector<1x16xf32>
      tpu.vector_store %arg7[%swap3A_458, %swap3A_459], %swap3A_462 {add = true, strides = array<i32>} : memref<45x16xf32, #tpu.memory_space<vmem>>, vector<1x16xf32>,
      %mul3A_463 = arith.mulf %get3A_284, %select_n3A_456 : vector<16xf32>
      %swap3A_464 = arith.constant 20 : i32
      %swap3A_465 = arith.index_cast %swap3A_464 : i32 to index
      %swap3A_466 = arith.constant 0 : index
      %swap3A_467 = tpu.vector_load %arg7[%swap3A_465, %swap3A_466] {strides = array<i32>} : memref<45x16xf32, #tpu.memory_space<vmem>>, vector<1x16xf32>,
      %swap3A_468 = vector.shape_cast %swap3A_467 : vector<1x16xf32> to vector<16xf32>
      %swap3A_469 = vector.shape_cast %mul3A_463 : vector<16xf32> to vector<1x16xf32>
      tpu.vector_store %arg7[%swap3A_465, %swap3A_466], %swap3A_469 {add = true, strides = array<i32>} : memref<45x16xf32, #tpu.memory_space<vmem>>, vector<1x16xf32>,
      %mul3A_470 = arith.mulf %get3A_289, %select_n3A_456 : vector<16xf32>
      %swap3A_471 = arith.constant 35 : i32
      %swap3A_472 = arith.index_cast %swap3A_471 : i32 to index
      %swap3A_473 = arith.constant 0 : index
      %swap3A_474 = tpu.vector_load %arg7[%swap3A_472, %swap3A_473] {strides = array<i32>} : memref<45x16xf32, #tpu.memory_space<vmem>>, vector<1x16xf32>,
      %swap3A_475 = vector.shape_cast %swap3A_474 : vector<1x16xf32> to vector<16xf32>
      %swap3A_476 = vector.shape_cast %mul3A_470 : vector<16xf32> to vector<1x16xf32>
      tpu.vector_store %arg7[%swap3A_472, %swap3A_473], %swap3A_476 {add = true, strides = array<i32>} : memref<45x16xf32, #tpu.memory_space<vmem>>, vector<1x16xf32>,
      %gt3A_477 = arith.constant 4.000000e-01 : f32
      %gt3A_478 = vector.broadcast %gt3A_477 : f32 to vector<16xf32>
      %gt3A_479 = arith.cmpf ogt, %get3A_284, %gt3A_478 : vector<16xf32>
      %le3A_480 = arith.constant 0.466666669 : f32
      %le3A_481 = vector.broadcast %le3A_480 : f32 to vector<16xf32>
      %le3A_482 = arith.cmpf ole, %get3A_284, %le3A_481 : vector<16xf32>
      %and3A_483 = arith.andi %gt3A_479, %le3A_482 : vector<16xi1>
      %jit3A_484 = arith.constant 1.000000e+00 : f32
      %jit3A_485 = arith.constant 0.000000e+00 : f32
      %broadcast_in_dim3A_486 = vector.broadcast %jit3A_484 : f32 to vector<16xf32>
      %broadcast_in_dim3A_487 = vector.broadcast %jit3A_485 : f32 to vector<16xf32>
      %select_n3A_488 = arith.select %and3A_483, %broadcast_in_dim3A_486, %broadcast_in_dim3A_487 : vector<16xi1>, vector<16xf32>
      %swap3A_489 = arith.constant 6 : i32
      %swap3A_490 = arith.index_cast %swap3A_489 : i32 to index
      %swap3A_491 = arith.constant 0 : index
      %swap3A_492 = tpu.vector_load %arg7[%swap3A_490, %swap3A_491] {strides = array<i32>} : memref<45x16xf32, #tpu.memory_space<vmem>>, vector<1x16xf32>,
      %swap3A_493 = vector.shape_cast %swap3A_492 : vector<1x16xf32> to vector<16xf32>
      %swap3A_494 = vector.shape_cast %select_n3A_488 : vector<16xf32> to vector<1x16xf32>
      tpu.vector_store %arg7[%swap3A_490, %swap3A_491], %swap3A_494 {add = true, strides = array<i32>} : memref<45x16xf32, #tpu.memory_space<vmem>>, vector<1x16xf32>,
      %mul3A_495 = arith.mulf %get3A_284, %select_n3A_488 : vector<16xf32>
      %swap3A_496 = arith.constant 21 : i32
      %swap3A_497 = arith.index_cast %swap3A_496 : i32 to index
      %swap3A_498 = arith.constant 0 : index
      %swap3A_499 = tpu.vector_load %arg7[%swap3A_497, %swap3A_498] {strides = array<i32>} : memref<45x16xf32, #tpu.memory_space<vmem>>, vector<1x16xf32>,
      %swap3A_500 = vector.shape_cast %swap3A_499 : vector<1x16xf32> to vector<16xf32>
      %swap3A_501 = vector.shape_cast %mul3A_495 : vector<16xf32> to vector<1x16xf32>
      tpu.vector_store %arg7[%swap3A_497, %swap3A_498], %swap3A_501 {add = true, strides = array<i32>} : memref<45x16xf32, #tpu.memory_space<vmem>>, vector<1x16xf32>,
      %mul3A_502 = arith.mulf %get3A_289, %select_n3A_488 : vector<16xf32>
      %swap3A_503 = arith.constant 36 : i32
      %swap3A_504 = arith.index_cast %swap3A_503 : i32 to index
      %swap3A_505 = arith.constant 0 : index
      %swap3A_506 = tpu.vector_load %arg7[%swap3A_504, %swap3A_505] {strides = array<i32>} : memref<45x16xf32, #tpu.memory_space<vmem>>, vector<1x16xf32>,
      %swap3A_507 = vector.shape_cast %swap3A_506 : vector<1x16xf32> to vector<16xf32>
      %swap3A_508 = vector.shape_cast %mul3A_502 : vector<16xf32> to vector<1x16xf32>
      tpu.vector_store %arg7[%swap3A_504, %swap3A_505], %swap3A_508 {add = true, strides = array<i32>} : memref<45x16xf32, #tpu.memory_space<vmem>>, vector<1x16xf32>,
      %gt3A_509 = arith.constant 0.466666669 : f32
      %gt3A_510 = vector.broadcast %gt3A_509 : f32 to vector<16xf32>
      %gt3A_511 = arith.cmpf ogt, %get3A_284, %gt3A_510 : vector<16xf32>
      %le3A_512 = arith.constant 0.533333361 : f32
      %le3A_513 = vector.broadcast %le3A_512 : f32 to vector<16xf32>
      %le3A_514 = arith.cmpf ole, %get3A_284, %le3A_513 : vector<16xf32>
      %and3A_515 = arith.andi %gt3A_511, %le3A_514 : vector<16xi1>
      %jit3A_516 = arith.constant 1.000000e+00 : f32
      %jit3A_517 = arith.constant 0.000000e+00 : f32
      %broadcast_in_dim3A_518 = vector.broadcast %jit3A_516 : f32 to vector<16xf32>
      %broadcast_in_dim3A_519 = vector.broadcast %jit3A_517 : f32 to vector<16xf32>
      %select_n3A_520 = arith.select %and3A_515, %broadcast_in_dim3A_518, %broadcast_in_dim3A_519 : vector<16xi1>, vector<16xf32>
      %swap3A_521 = arith.constant 7 : i32
      %swap3A_522 = arith.index_cast %swap3A_521 : i32 to index
      %swap3A_523 = arith.constant 0 : index
      %swap3A_524 = tpu.vector_load %arg7[%swap3A_522, %swap3A_523] {strides = array<i32>} : memref<45x16xf32, #tpu.memory_space<vmem>>, vector<1x16xf32>,
      %swap3A_525 = vector.shape_cast %swap3A_524 : vector<1x16xf32> to vector<16xf32>
      %swap3A_526 = vector.shape_cast %select_n3A_520 : vector<16xf32> to vector<1x16xf32>
      tpu.vector_store %arg7[%swap3A_522, %swap3A_523], %swap3A_526 {add = true, strides = array<i32>} : memref<45x16xf32, #tpu.memory_space<vmem>>, vector<1x16xf32>,
      %mul3A_527 = arith.mulf %get3A_284, %select_n3A_520 : vector<16xf32>
      %swap3A_528 = arith.constant 22 : i32
      %swap3A_529 = arith.index_cast %swap3A_528 : i32 to index
      %swap3A_530 = arith.constant 0 : index
      %swap3A_531 = tpu.vector_load %arg7[%swap3A_529, %swap3A_530] {strides = array<i32>} : memref<45x16xf32, #tpu.memory_space<vmem>>, vector<1x16xf32>,
      %swap3A_532 = vector.shape_cast %swap3A_531 : vector<1x16xf32> to vector<16xf32>
      %swap3A_533 = vector.shape_cast %mul3A_527 : vector<16xf32> to vector<1x16xf32>
      tpu.vector_store %arg7[%swap3A_529, %swap3A_530], %swap3A_533 {add = true, strides = array<i32>} : memref<45x16xf32, #tpu.memory_space<vmem>>, vector<1x16xf32>,
      %mul3A_534 = arith.mulf %get3A_289, %select_n3A_520 : vector<16xf32>
      %swap3A_535 = arith.constant 37 : i32
      %swap3A_536 = arith.index_cast %swap3A_535 : i32 to index
      %swap3A_537 = arith.constant 0 : index
      %swap3A_538 = tpu.vector_load %arg7[%swap3A_536, %swap3A_537] {strides = array<i32>} : memref<45x16xf32, #tpu.memory_space<vmem>>, vector<1x16xf32>,
      %swap3A_539 = vector.shape_cast %swap3A_538 : vector<1x16xf32> to vector<16xf32>
      %swap3A_540 = vector.shape_cast %mul3A_534 : vector<16xf32> to vector<1x16xf32>
      tpu.vector_store %arg7[%swap3A_536, %swap3A_537], %swap3A_540 {add = true, strides = array<i32>} : memref<45x16xf32, #tpu.memory_space<vmem>>, vector<1x16xf32>,
      %gt3A_541 = arith.constant 0.533333361 : f32
      %gt3A_542 = vector.broadcast %gt3A_541 : f32 to vector<16xf32>
      %gt3A_543 = arith.cmpf ogt, %get3A_284, %gt3A_542 : vector<16xf32>
      %le3A_544 = arith.constant 6.000000e-01 : f32
      %le3A_545 = vector.broadcast %le3A_544 : f32 to vector<16xf32>
      %le3A_546 = arith.cmpf ole, %get3A_284, %le3A_545 : vector<16xf32>
      %and3A_547 = arith.andi %gt3A_543, %le3A_546 : vector<16xi1>
      %jit3A_548 = arith.constant 1.000000e+00 : f32
      %jit3A_549 = arith.constant 0.000000e+00 : f32
      %broadcast_in_dim3A_550 = vector.broadcast %jit3A_548 : f32 to vector<16xf32>
      %broadcast_in_dim3A_551 = vector.broadcast %jit3A_549 : f32 to vector<16xf32>
      %select_n3A_552 = arith.select %and3A_547, %broadcast_in_dim3A_550, %broadcast_in_dim3A_551 : vector<16xi1>, vector<16xf32>
      %swap3A_553 = arith.constant 8 : i32
      %swap3A_554 = arith.index_cast %swap3A_553 : i32 to index
      %swap3A_555 = arith.constant 0 : index
      %swap3A_556 = tpu.vector_load %arg7[%swap3A_554, %swap3A_555] {strides = array<i32>} : memref<45x16xf32, #tpu.memory_space<vmem>>, vector<1x16xf32>,
      %swap3A_557 = vector.shape_cast %swap3A_556 : vector<1x16xf32> to vector<16xf32>
      %swap3A_558 = vector.shape_cast %select_n3A_552 : vector<16xf32> to vector<1x16xf32>
      tpu.vector_store %arg7[%swap3A_554, %swap3A_555], %swap3A_558 {add = true, strides = array<i32>} : memref<45x16xf32, #tpu.memory_space<vmem>>, vector<1x16xf32>,
      %mul3A_559 = arith.mulf %get3A_284, %select_n3A_552 : vector<16xf32>
      %swap3A_560 = arith.constant 23 : i32
      %swap3A_561 = arith.index_cast %swap3A_560 : i32 to index
      %swap3A_562 = arith.constant 0 : index
      %swap3A_563 = tpu.vector_load %arg7[%swap3A_561, %swap3A_562] {strides = array<i32>} : memref<45x16xf32, #tpu.memory_space<vmem>>, vector<1x16xf32>,
      %swap3A_564 = vector.shape_cast %swap3A_563 : vector<1x16xf32> to vector<16xf32>
      %swap3A_565 = vector.shape_cast %mul3A_559 : vector<16xf32> to vector<1x16xf32>
      tpu.vector_store %arg7[%swap3A_561, %swap3A_562], %swap3A_565 {add = true, strides = array<i32>} : memref<45x16xf32, #tpu.memory_space<vmem>>, vector<1x16xf32>,
      %mul3A_566 = arith.mulf %get3A_289, %select_n3A_552 : vector<16xf32>
      %swap3A_567 = arith.constant 38 : i32
      %swap3A_568 = arith.index_cast %swap3A_567 : i32 to index
      %swap3A_569 = arith.constant 0 : index
      %swap3A_570 = tpu.vector_load %arg7[%swap3A_568, %swap3A_569] {strides = array<i32>} : memref<45x16xf32, #tpu.memory_space<vmem>>, vector<1x16xf32>,
      %swap3A_571 = vector.shape_cast %swap3A_570 : vector<1x16xf32> to vector<16xf32>
      %swap3A_572 = vector.shape_cast %mul3A_566 : vector<16xf32> to vector<1x16xf32>
      tpu.vector_store %arg7[%swap3A_568, %swap3A_569], %swap3A_572 {add = true, strides = array<i32>} : memref<45x16xf32, #tpu.memory_space<vmem>>, vector<1x16xf32>,
      %gt3A_573 = arith.constant 6.000000e-01 : f32
      %gt3A_574 = vector.broadcast %gt3A_573 : f32 to vector<16xf32>
      %gt3A_575 = arith.cmpf ogt, %get3A_284, %gt3A_574 : vector<16xf32>
      %le3A_576 = arith.constant 0.666666686 : f32
      %le3A_577 = vector.broadcast %le3A_576 : f32 to vector<16xf32>
      %le3A_578 = arith.cmpf ole, %get3A_284, %le3A_577 : vector<16xf32>
      %and3A_579 = arith.andi %gt3A_575, %le3A_578 : vector<16xi1>
      %jit3A_580 = arith.constant 1.000000e+00 : f32
      %jit3A_581 = arith.constant 0.000000e+00 : f32
      %broadcast_in_dim3A_582 = vector.broadcast %jit3A_580 : f32 to vector<16xf32>
      %broadcast_in_dim3A_583 = vector.broadcast %jit3A_581 : f32 to vector<16xf32>
      %select_n3A_584 = arith.select %and3A_579, %broadcast_in_dim3A_582, %broadcast_in_dim3A_583 : vector<16xi1>, vector<16xf32>
      %swap3A_585 = arith.constant 9 : i32
      %swap3A_586 = arith.index_cast %swap3A_585 : i32 to index
      %swap3A_587 = arith.constant 0 : index
      %swap3A_588 = tpu.vector_load %arg7[%swap3A_586, %swap3A_587] {strides = array<i32>} : memref<45x16xf32, #tpu.memory_space<vmem>>, vector<1x16xf32>,
      %swap3A_589 = vector.shape_cast %swap3A_588 : vector<1x16xf32> to vector<16xf32>
      %swap3A_590 = vector.shape_cast %select_n3A_584 : vector<16xf32> to vector<1x16xf32>
      tpu.vector_store %arg7[%swap3A_586, %swap3A_587], %swap3A_590 {add = true, strides = array<i32>} : memref<45x16xf32, #tpu.memory_space<vmem>>, vector<1x16xf32>,
      %mul3A_591 = arith.mulf %get3A_284, %select_n3A_584 : vector<16xf32>
      %swap3A_592 = arith.constant 24 : i32
      %swap3A_593 = arith.index_cast %swap3A_592 : i32 to index
      %swap3A_594 = arith.constant 0 : index
      %swap3A_595 = tpu.vector_load %arg7[%swap3A_593, %swap3A_594] {strides = array<i32>} : memref<45x16xf32, #tpu.memory_space<vmem>>, vector<1x16xf32>,
      %swap3A_596 = vector.shape_cast %swap3A_595 : vector<1x16xf32> to vector<16xf32>
      %swap3A_597 = vector.shape_cast %mul3A_591 : vector<16xf32> to vector<1x16xf32>
      tpu.vector_store %arg7[%swap3A_593, %swap3A_594], %swap3A_597 {add = true, strides = array<i32>} : memref<45x16xf32, #tpu.memory_space<vmem>>, vector<1x16xf32>,
      %mul3A_598 = arith.mulf %get3A_289, %select_n3A_584 : vector<16xf32>
      %swap3A_599 = arith.constant 39 : i32
      %swap3A_600 = arith.index_cast %swap3A_599 : i32 to index
      %swap3A_601 = arith.constant 0 : index
      %swap3A_602 = tpu.vector_load %arg7[%swap3A_600, %swap3A_601] {strides = array<i32>} : memref<45x16xf32, #tpu.memory_space<vmem>>, vector<1x16xf32>,
      %swap3A_603 = vector.shape_cast %swap3A_602 : vector<1x16xf32> to vector<16xf32>
      %swap3A_604 = vector.shape_cast %mul3A_598 : vector<16xf32> to vector<1x16xf32>
      tpu.vector_store %arg7[%swap3A_600, %swap3A_601], %swap3A_604 {add = true, strides = array<i32>} : memref<45x16xf32, #tpu.memory_space<vmem>>, vector<1x16xf32>,
      %gt3A_605 = arith.constant 0.666666686 : f32
      %gt3A_606 = vector.broadcast %gt3A_605 : f32 to vector<16xf32>
      %gt3A_607 = arith.cmpf ogt, %get3A_284, %gt3A_606 : vector<16xf32>
      %le3A_608 = arith.constant 0.733333349 : f32
      %le3A_609 = vector.broadcast %le3A_608 : f32 to vector<16xf32>
      %le3A_610 = arith.cmpf ole, %get3A_284, %le3A_609 : vector<16xf32>
      %and3A_611 = arith.andi %gt3A_607, %le3A_610 : vector<16xi1>
      %jit3A_612 = arith.constant 1.000000e+00 : f32
      %jit3A_613 = arith.constant 0.000000e+00 : f32
      %broadcast_in_dim3A_614 = vector.broadcast %jit3A_612 : f32 to vector<16xf32>
      %broadcast_in_dim3A_615 = vector.broadcast %jit3A_613 : f32 to vector<16xf32>
      %select_n3A_616 = arith.select %and3A_611, %broadcast_in_dim3A_614, %broadcast_in_dim3A_615 : vector<16xi1>, vector<16xf32>
      %swap3A_617 = arith.constant 10 : i32
      %swap3A_618 = arith.index_cast %swap3A_617 : i32 to index
      %swap3A_619 = arith.constant 0 : index
      %swap3A_620 = tpu.vector_load %arg7[%swap3A_618, %swap3A_619] {strides = array<i32>} : memref<45x16xf32, #tpu.memory_space<vmem>>, vector<1x16xf32>,
      %swap3A_621 = vector.shape_cast %swap3A_620 : vector<1x16xf32> to vector<16xf32>
      %swap3A_622 = vector.shape_cast %select_n3A_616 : vector<16xf32> to vector<1x16xf32>
      tpu.vector_store %arg7[%swap3A_618, %swap3A_619], %swap3A_622 {add = true, strides = array<i32>} : memref<45x16xf32, #tpu.memory_space<vmem>>, vector<1x16xf32>,
      %mul3A_623 = arith.mulf %get3A_284, %select_n3A_616 : vector<16xf32>
      %swap3A_624 = arith.constant 25 : i32
      %swap3A_625 = arith.index_cast %swap3A_624 : i32 to index
      %swap3A_626 = arith.constant 0 : index
      %swap3A_627 = tpu.vector_load %arg7[%swap3A_625, %swap3A_626] {strides = array<i32>} : memref<45x16xf32, #tpu.memory_space<vmem>>, vector<1x16xf32>,
      %swap3A_628 = vector.shape_cast %swap3A_627 : vector<1x16xf32> to vector<16xf32>
      %swap3A_629 = vector.shape_cast %mul3A_623 : vector<16xf32> to vector<1x16xf32>
      tpu.vector_store %arg7[%swap3A_625, %swap3A_626], %swap3A_629 {add = true, strides = array<i32>} : memref<45x16xf32, #tpu.memory_space<vmem>>, vector<1x16xf32>,
      %mul3A_630 = arith.mulf %get3A_289, %select_n3A_616 : vector<16xf32>
      %swap3A_631 = arith.constant 40 : i32
      %swap3A_632 = arith.index_cast %swap3A_631 : i32 to index
      %swap3A_633 = arith.constant 0 : index
      %swap3A_634 = tpu.vector_load %arg7[%swap3A_632, %swap3A_633] {strides = array<i32>} : memref<45x16xf32, #tpu.memory_space<vmem>>, vector<1x16xf32>,
      %swap3A_635 = vector.shape_cast %swap3A_634 : vector<1x16xf32> to vector<16xf32>
      %swap3A_636 = vector.shape_cast %mul3A_630 : vector<16xf32> to vector<1x16xf32>
      tpu.vector_store %arg7[%swap3A_632, %swap3A_633], %swap3A_636 {add = true, strides = array<i32>} : memref<45x16xf32, #tpu.memory_space<vmem>>, vector<1x16xf32>,
      %gt3A_637 = arith.constant 0.733333349 : f32
      %gt3A_638 = vector.broadcast %gt3A_637 : f32 to vector<16xf32>
      %gt3A_639 = arith.cmpf ogt, %get3A_284, %gt3A_638 : vector<16xf32>
      %le3A_640 = arith.constant 8.000000e-01 : f32
      %le3A_641 = vector.broadcast %le3A_640 : f32 to vector<16xf32>
      %le3A_642 = arith.cmpf ole, %get3A_284, %le3A_641 : vector<16xf32>
      %and3A_643 = arith.andi %gt3A_639, %le3A_642 : vector<16xi1>
      %jit3A_644 = arith.constant 1.000000e+00 : f32
      %jit3A_645 = arith.constant 0.000000e+00 : f32
      %broadcast_in_dim3A_646 = vector.broadcast %jit3A_644 : f32 to vector<16xf32>
      %broadcast_in_dim3A_647 = vector.broadcast %jit3A_645 : f32 to vector<16xf32>
      %select_n3A_648 = arith.select %and3A_643, %broadcast_in_dim3A_646, %broadcast_in_dim3A_647 : vector<16xi1>, vector<16xf32>
      %swap3A_649 = arith.constant 11 : i32
      %swap3A_650 = arith.index_cast %swap3A_649 : i32 to index
      %swap3A_651 = arith.constant 0 : index
      %swap3A_652 = tpu.vector_load %arg7[%swap3A_650, %swap3A_651] {strides = array<i32>} : memref<45x16xf32, #tpu.memory_space<vmem>>, vector<1x16xf32>,
      %swap3A_653 = vector.shape_cast %swap3A_652 : vector<1x16xf32> to vector<16xf32>
      %swap3A_654 = vector.shape_cast %select_n3A_648 : vector<16xf32> to vector<1x16xf32>
      tpu.vector_store %arg7[%swap3A_650, %swap3A_651], %swap3A_654 {add = true, strides = array<i32>} : memref<45x16xf32, #tpu.memory_space<vmem>>, vector<1x16xf32>,
      %mul3A_655 = arith.mulf %get3A_284, %select_n3A_648 : vector<16xf32>
      %swap3A_656 = arith.constant 26 : i32
      %swap3A_657 = arith.index_cast %swap3A_656 : i32 to index
      %swap3A_658 = arith.constant 0 : index
      %swap3A_659 = tpu.vector_load %arg7[%swap3A_657, %swap3A_658] {strides = array<i32>} : memref<45x16xf32, #tpu.memory_space<vmem>>, vector<1x16xf32>,
      %swap3A_660 = vector.shape_cast %swap3A_659 : vector<1x16xf32> to vector<16xf32>
      %swap3A_661 = vector.shape_cast %mul3A_655 : vector<16xf32> to vector<1x16xf32>
      tpu.vector_store %arg7[%swap3A_657, %swap3A_658], %swap3A_661 {add = true, strides = array<i32>} : memref<45x16xf32, #tpu.memory_space<vmem>>, vector<1x16xf32>,
      %mul3A_662 = arith.mulf %get3A_289, %select_n3A_648 : vector<16xf32>
      %swap3A_663 = arith.constant 41 : i32
      %swap3A_664 = arith.index_cast %swap3A_663 : i32 to index
      %swap3A_665 = arith.constant 0 : index
      %swap3A_666 = tpu.vector_load %arg7[%swap3A_664, %swap3A_665] {strides = array<i32>} : memref<45x16xf32, #tpu.memory_space<vmem>>, vector<1x16xf32>,
      %swap3A_667 = vector.shape_cast %swap3A_666 : vector<1x16xf32> to vector<16xf32>
      %swap3A_668 = vector.shape_cast %mul3A_662 : vector<16xf32> to vector<1x16xf32>
      tpu.vector_store %arg7[%swap3A_664, %swap3A_665], %swap3A_668 {add = true, strides = array<i32>} : memref<45x16xf32, #tpu.memory_space<vmem>>, vector<1x16xf32>,
      %gt3A_669 = arith.constant 8.000000e-01 : f32
      %gt3A_670 = vector.broadcast %gt3A_669 : f32 to vector<16xf32>
      %gt3A_671 = arith.cmpf ogt, %get3A_284, %gt3A_670 : vector<16xf32>
      %le3A_672 = arith.constant 0.866666674 : f32
      %le3A_673 = vector.broadcast %le3A_672 : f32 to vector<16xf32>
      %le3A_674 = arith.cmpf ole, %get3A_284, %le3A_673 : vector<16xf32>
      %and3A_675 = arith.andi %gt3A_671, %le3A_674 : vector<16xi1>
      %jit3A_676 = arith.constant 1.000000e+00 : f32
      %jit3A_677 = arith.constant 0.000000e+00 : f32
      %broadcast_in_dim3A_678 = vector.broadcast %jit3A_676 : f32 to vector<16xf32>
      %broadcast_in_dim3A_679 = vector.broadcast %jit3A_677 : f32 to vector<16xf32>
      %select_n3A_680 = arith.select %and3A_675, %broadcast_in_dim3A_678, %broadcast_in_dim3A_679 : vector<16xi1>, vector<16xf32>
      %swap3A_681 = arith.constant 12 : i32
      %swap3A_682 = arith.index_cast %swap3A_681 : i32 to index
      %swap3A_683 = arith.constant 0 : index
      %swap3A_684 = tpu.vector_load %arg7[%swap3A_682, %swap3A_683] {strides = array<i32>} : memref<45x16xf32, #tpu.memory_space<vmem>>, vector<1x16xf32>,
      %swap3A_685 = vector.shape_cast %swap3A_684 : vector<1x16xf32> to vector<16xf32>
      %swap3A_686 = vector.shape_cast %select_n3A_680 : vector<16xf32> to vector<1x16xf32>
      tpu.vector_store %arg7[%swap3A_682, %swap3A_683], %swap3A_686 {add = true, strides = array<i32>} : memref<45x16xf32, #tpu.memory_space<vmem>>, vector<1x16xf32>,
      %mul3A_687 = arith.mulf %get3A_284, %select_n3A_680 : vector<16xf32>
      %swap3A_688 = arith.constant 27 : i32
      %swap3A_689 = arith.index_cast %swap3A_688 : i32 to index
      %swap3A_690 = arith.constant 0 : index
      %swap3A_691 = tpu.vector_load %arg7[%swap3A_689, %swap3A_690] {strides = array<i32>} : memref<45x16xf32, #tpu.memory_space<vmem>>, vector<1x16xf32>,
      %swap3A_692 = vector.shape_cast %swap3A_691 : vector<1x16xf32> to vector<16xf32>
      %swap3A_693 = vector.shape_cast %mul3A_687 : vector<16xf32> to vector<1x16xf32>
      tpu.vector_store %arg7[%swap3A_689, %swap3A_690], %swap3A_693 {add = true, strides = array<i32>} : memref<45x16xf32, #tpu.memory_space<vmem>>, vector<1x16xf32>,
      %mul3A_694 = arith.mulf %get3A_289, %select_n3A_680 : vector<16xf32>
      %swap3A_695 = arith.constant 42 : i32
      %swap3A_696 = arith.index_cast %swap3A_695 : i32 to index
      %swap3A_697 = arith.constant 0 : index
      %swap3A_698 = tpu.vector_load %arg7[%swap3A_696, %swap3A_697] {strides = array<i32>} : memref<45x16xf32, #tpu.memory_space<vmem>>, vector<1x16xf32>,
      %swap3A_699 = vector.shape_cast %swap3A_698 : vector<1x16xf32> to vector<16xf32>
      %swap3A_700 = vector.shape_cast %mul3A_694 : vector<16xf32> to vector<1x16xf32>
      tpu.vector_store %arg7[%swap3A_696, %swap3A_697], %swap3A_700 {add = true, strides = array<i32>} : memref<45x16xf32, #tpu.memory_space<vmem>>, vector<1x16xf32>,
      %gt3A_701 = arith.constant 0.866666674 : f32
      %gt3A_702 = vector.broadcast %gt3A_701 : f32 to vector<16xf32>
      %gt3A_703 = arith.cmpf ogt, %get3A_284, %gt3A_702 : vector<16xf32>
      %le3A_704 = arith.constant 0.933333337 : f32
      %le3A_705 = vector.broadcast %le3A_704 : f32 to vector<16xf32>
      %le3A_706 = arith.cmpf ole, %get3A_284, %le3A_705 : vector<16xf32>
      %and3A_707 = arith.andi %gt3A_703, %le3A_706 : vector<16xi1>
      %jit3A_708 = arith.constant 1.000000e+00 : f32
      %jit3A_709 = arith.constant 0.000000e+00 : f32
      %broadcast_in_dim3A_710 = vector.broadcast %jit3A_708 : f32 to vector<16xf32>
      %broadcast_in_dim3A_711 = vector.broadcast %jit3A_709 : f32 to vector<16xf32>
      %select_n3A_712 = arith.select %and3A_707, %broadcast_in_dim3A_710, %broadcast_in_dim3A_711 : vector<16xi1>, vector<16xf32>
      %swap3A_713 = arith.constant 13 : i32
      %swap3A_714 = arith.index_cast %swap3A_713 : i32 to index
      %swap3A_715 = arith.constant 0 : index
      %swap3A_716 = tpu.vector_load %arg7[%swap3A_714, %swap3A_715] {strides = array<i32>} : memref<45x16xf32, #tpu.memory_space<vmem>>, vector<1x16xf32>,
      %swap3A_717 = vector.shape_cast %swap3A_716 : vector<1x16xf32> to vector<16xf32>
      %swap3A_718 = vector.shape_cast %select_n3A_712 : vector<16xf32> to vector<1x16xf32>
      tpu.vector_store %arg7[%swap3A_714, %swap3A_715], %swap3A_718 {add = true, strides = array<i32>} : memref<45x16xf32, #tpu.memory_space<vmem>>, vector<1x16xf32>,
      %mul3A_719 = arith.mulf %get3A_284, %select_n3A_712 : vector<16xf32>
      %swap3A_720 = arith.constant 28 : i32
      %swap3A_721 = arith.index_cast %swap3A_720 : i32 to index
      %swap3A_722 = arith.constant 0 : index
      %swap3A_723 = tpu.vector_load %arg7[%swap3A_721, %swap3A_722] {strides = array<i32>} : memref<45x16xf32, #tpu.memory_space<vmem>>, vector<1x16xf32>,
      %swap3A_724 = vector.shape_cast %swap3A_723 : vector<1x16xf32> to vector<16xf32>
      %swap3A_725 = vector.shape_cast %mul3A_719 : vector<16xf32> to vector<1x16xf32>
      tpu.vector_store %arg7[%swap3A_721, %swap3A_722], %swap3A_725 {add = true, strides = array<i32>} : memref<45x16xf32, #tpu.memory_space<vmem>>, vector<1x16xf32>,
      %mul3A_726 = arith.mulf %get3A_289, %select_n3A_712 : vector<16xf32>
      %swap3A_727 = arith.constant 43 : i32
      %swap3A_728 = arith.index_cast %swap3A_727 : i32 to index
      %swap3A_729 = arith.constant 0 : index
      %swap3A_730 = tpu.vector_load %arg7[%swap3A_728, %swap3A_729] {strides = array<i32>} : memref<45x16xf32, #tpu.memory_space<vmem>>, vector<1x16xf32>,
      %swap3A_731 = vector.shape_cast %swap3A_730 : vector<1x16xf32> to vector<16xf32>
      %swap3A_732 = vector.shape_cast %mul3A_726 : vector<16xf32> to vector<1x16xf32>
      tpu.vector_store %arg7[%swap3A_728, %swap3A_729], %swap3A_732 {add = true, strides = array<i32>} : memref<45x16xf32, #tpu.memory_space<vmem>>, vector<1x16xf32>,
      %gt3A_733 = arith.constant 0.933333337 : f32
      %gt3A_734 = vector.broadcast %gt3A_733 : f32 to vector<16xf32>
      %gt3A_735 = arith.cmpf ogt, %get3A_284, %gt3A_734 : vector<16xf32>
      %le3A_736 = arith.constant 1.000000e+00 : f32
      %le3A_737 = vector.broadcast %le3A_736 : f32 to vector<16xf32>
      %le3A_738 = arith.cmpf ole, %get3A_284, %le3A_737 : vector<16xf32>
      %and3A_739 = arith.andi %gt3A_735, %le3A_738 : vector<16xi1>
      %jit3A_740 = arith.constant 1.000000e+00 : f32
      %jit3A_741 = arith.constant 0.000000e+00 : f32
      %broadcast_in_dim3A_742 = vector.broadcast %jit3A_740 : f32 to vector<16xf32>
      %broadcast_in_dim3A_743 = vector.broadcast %jit3A_741 : f32 to vector<16xf32>
      %select_n3A_744 = arith.select %and3A_739, %broadcast_in_dim3A_742, %broadcast_in_dim3A_743 : vector<16xi1>, vector<16xf32>
      %swap3A_745 = arith.constant 14 : i32
      %swap3A_746 = arith.index_cast %swap3A_745 : i32 to index
      %swap3A_747 = arith.constant 0 : index
      %swap3A_748 = tpu.vector_load %arg7[%swap3A_746, %swap3A_747] {strides = array<i32>} : memref<45x16xf32, #tpu.memory_space<vmem>>, vector<1x16xf32>,
      %swap3A_749 = vector.shape_cast %swap3A_748 : vector<1x16xf32> to vector<16xf32>
      %swap3A_750 = vector.shape_cast %select_n3A_744 : vector<16xf32> to vector<1x16xf32>
      tpu.vector_store %arg7[%swap3A_746, %swap3A_747], %swap3A_750 {add = true, strides = array<i32>} : memref<45x16xf32, #tpu.memory_space<vmem>>, vector<1x16xf32>,
      %mul3A_751 = arith.mulf %get3A_284, %select_n3A_744 : vector<16xf32>
      %swap3A_752 = arith.constant 29 : i32
      %swap3A_753 = arith.index_cast %swap3A_752 : i32 to index
      %swap3A_754 = arith.constant 0 : index
      %swap3A_755 = tpu.vector_load %arg7[%swap3A_753, %swap3A_754] {strides = array<i32>} : memref<45x16xf32, #tpu.memory_space<vmem>>, vector<1x16xf32>,
      %swap3A_756 = vector.shape_cast %swap3A_755 : vector<1x16xf32> to vector<16xf32>
      %swap3A_757 = vector.shape_cast %mul3A_751 : vector<16xf32> to vector<1x16xf32>
      tpu.vector_store %arg7[%swap3A_753, %swap3A_754], %swap3A_757 {add = true, strides = array<i32>} : memref<45x16xf32, #tpu.memory_space<vmem>>, vector<1x16xf32>,
      %mul3A_758 = arith.mulf %get3A_289, %select_n3A_744 : vector<16xf32>
      %swap3A_759 = arith.constant 44 : i32
      %swap3A_760 = arith.index_cast %swap3A_759 : i32 to index
      %swap3A_761 = arith.constant 0 : index
      %swap3A_762 = tpu.vector_load %arg7[%swap3A_760, %swap3A_761] {strides = array<i32>} : memref<45x16xf32, #tpu.memory_space<vmem>>, vector<1x16xf32>,
      %swap3A_763 = vector.shape_cast %swap3A_762 : vector<1x16xf32> to vector<16xf32>
      %swap3A_764 = vector.shape_cast %mul3A_758 : vector<16xf32> to vector<1x16xf32>
      tpu.vector_store %arg7[%swap3A_760, %swap3A_761], %swap3A_764 {add = true, strides = array<i32>} : memref<45x16xf32, #tpu.memory_space<vmem>>, vector<1x16xf32>,
    }
    %scan3A_279 = arith.constant 128 : i32
    "tpu.region"() ({
      %run_scoped3A = tpu.sem_alloc : memref<!tpu.dma_semaphore, #tpu.memory_space<semaphore_mem>>
      %dma_start3A = arith.constant 0 : i32
      %dma_start3A_280 = arith.constant 0 : i32
      %dma_start3A_281 = tpu.memref_slice %arg4[%add3A, %dma_start3A, %dma_start3A_280] : memref<32x45x16xf32, #tpu.memory_space<hbm>> -> memref<1x45x16xf32, #tpu.memory_space<hbm>>
      %dma_start3A_282 = tpu.memref_squeeze %dma_start3A_281 : memref<1x45x16xf32, #tpu.memory_space<hbm>> -> memref<45x16xf32, #tpu.memory_space<hbm>>
      %dma_start3A_283 = arith.constant 0 : i32
      %dma_start3A_284 = arith.constant 0 : i32
      %dma_start3A_285 = tpu.memref_slice %arg4[%add3A, %dma_start3A_283, %dma_start3A_284] : memref<32x45x16xf32, #tpu.memory_space<hbm>> -> memref<1x45x16xf32, #tpu.memory_space<hbm>>
      %dma_start3A_286 = tpu.memref_squeeze %dma_start3A_285 : memref<1x45x16xf32, #tpu.memory_space<hbm>> -> memref<45x16xf32, #tpu.memory_space<hbm>>
      tpu.enqueue_dma source(%arg7 : memref<45x16xf32, #tpu.memory_space<vmem>>) target(%dma_start3A_286 : memref<45x16xf32, #tpu.memory_space<hbm>>) target_semaphore(%run_scoped3A : memref<!tpu.dma_semaphore, #tpu.memory_space<semaphore_mem>>)
      %dma_wait3A = arith.constant 0 : i32
      %dma_wait3A_287 = arith.constant 0 : i32
      %dma_wait3A_288 = tpu.memref_slice %arg4[%add3A, %dma_wait3A, %dma_wait3A_287] : memref<32x45x16xf32, #tpu.memory_space<hbm>> -> memref<1x45x16xf32, #tpu.memory_space<hbm>>
      %dma_wait3A_289 = tpu.memref_squeeze %dma_wait3A_288 : memref<1x45x16xf32, #tpu.memory_space<hbm>> -> memref<45x16xf32, #tpu.memory_space<hbm>>
      %dma_wait3A_290 = arith.constant 0 : i32
      %dma_wait3A_291 = arith.constant 0 : i32
      %dma_wait3A_292 = tpu.memref_slice %arg4[%add3A, %dma_wait3A_290, %dma_wait3A_291] : memref<32x45x16xf32, #tpu.memory_space<hbm>> -> memref<1x45x16xf32, #tpu.memory_space<hbm>>
      %dma_wait3A_293 = tpu.memref_squeeze %dma_wait3A_292 : memref<1x45x16xf32, #tpu.memory_space<hbm>> -> memref<45x16xf32, #tpu.memory_space<hbm>>
      tpu.wait_dma2 semaphore(%run_scoped3A : memref<!tpu.dma_semaphore, #tpu.memory_space<semaphore_mem>>) src(%arg7 : memref<45x16xf32, #tpu.memory_space<vmem>>) dst(%dma_wait3A_293 : memref<45x16xf32, #tpu.memory_space<hbm>>)
      tpu.yield
    }) : () -> ()
    return
  }
}

module attributes {stable_mosaic.version = 14 : i64} {
  func.func @_scan_body(%arg0: i32, %arg1: memref<2048x1000xf32, #tpu.memory_space<vmem>>, %arg2: memref<2048xi32, #tpu.memory_space<vmem>>, %arg3: memref<2048xf32, #tpu.memory_space<vmem>>, %arg4: memref<2048xf32, #tpu.memory_space<vmem>>) attributes {dimension_semantics = [#tpu.dimension_semantics<arbitrary>], iteration_bounds = array<i64: 32>, scalar_prefetch = 0 : i64, scratch_operands = 0 : i64, tpu.core_type = #tpu.core_type<tc>, window_params = [{transform_indices = @transform_0, window_bounds = array<i64: 2048, 1000>}, {transform_indices = @transform_1, window_bounds = array<i64: 2048>}, {transform_indices = @transform_2, window_bounds = array<i64: 2048>}, {transform_indices = @transform_3, window_bounds = array<i64: 2048>}]} {
    %get3A = arith.constant 0 : index
    %get3A_0 = arith.constant 0 : index
    %get3A_1 = vector.load %arg1[%get3A, %get3A_0] : memref<2048x1000xf32, #tpu.memory_space<vmem>>, vector<2048x1000xf32>
    %reduce_max3A = arith.constant dense<0xFF800000> : vector<2048xf32>
    %reduce_max3A_2 = vector.multi_reduction <maximumf>, %get3A_1, %reduce_max3A [1] : vector<2048x1000xf32> to vector<2048xf32>
    %broadcast_in_dim3A = vector.shape_cast %reduce_max3A_2 : vector<2048xf32> to vector<2048x1xf32>
    %sub3A = vector.broadcast %broadcast_in_dim3A : vector<2048x1xf32> to vector<2048x1000xf32>
    %sub3A_3 = arith.subf %get3A_1, %sub3A : vector<2048x1000xf32>
    %exp3A = math.exp %sub3A_3 : vector<2048x1000xf32>
    %reduce_sum3A = arith.constant dense<0.000000e+00> : vector<2048xf32>
    %reduce_sum3A_4 = vector.multi_reduction <add>, %exp3A, %reduce_sum3A [1] : vector<2048x1000xf32> to vector<2048xf32>
    %div3A = arith.constant 1.000000e+00 : f32
    %div3A_5 = vector.broadcast %div3A : f32 to vector<2048xf32>
    %div3A_6 = arith.divf %div3A_5, %reduce_sum3A_4 : vector<2048xf32>
    %swap3A = arith.constant 0 : index
    %swap3A_7 = vector.load %arg3[%swap3A] : memref<2048xf32, #tpu.memory_space<vmem>>, vector<2048xf32>
    tpu.vector_store %arg3[%swap3A], %div3A_6 {strides = array<i32>} : memref<2048xf32, #tpu.memory_space<vmem>>, vector<2048xf32>,
    %iota3A = tpu.iota {dimensions = array<i32: 1>} : vector<2048x1000xi32>
    %eq3A = vector.broadcast %broadcast_in_dim3A : vector<2048x1xf32> to vector<2048x1000xf32>
    %eq3A_8 = arith.cmpf oeq, %get3A_1, %eq3A : vector<2048x1000xf32>
    %get3A_9 = arith.constant 0 : index
    %get3A_10 = vector.load %arg2[%get3A_9] : memref<2048xi32, #tpu.memory_space<vmem>>, vector<2048xi32>
    %broadcast_in_dim3A_11 = vector.shape_cast %get3A_10 : vector<2048xi32> to vector<2048x1xi32>
    %eq3A_12 = vector.broadcast %broadcast_in_dim3A_11 : vector<2048x1xi32> to vector<2048x1000xi32>
    %eq3A_13 = arith.cmpi eq, %iota3A, %eq3A_12 : vector<2048x1000xi32>
    %and3A = arith.andi %eq3A_8, %eq3A_13 : vector<2048x1000xi1>
    %convert_element_type3A = arith.extui %and3A : vector<2048x1000xi1> to vector<2048x1000xi32>
    %convert_element_type3A_14 = arith.sitofp %convert_element_type3A : vector<2048x1000xi32> to vector<2048x1000xf32>
    %reduce_max3A_15 = arith.constant dense<0xFF800000> : vector<2048xf32>
    %reduce_max3A_16 = vector.multi_reduction <maximumf>, %convert_element_type3A_14, %reduce_max3A_15 [1] : vector<2048x1000xf32> to vector<2048xf32>
    %swap3A_17 = arith.constant 0 : index
    %swap3A_18 = vector.load %arg4[%swap3A_17] : memref<2048xf32, #tpu.memory_space<vmem>>, vector<2048xf32>
    tpu.vector_store %arg4[%swap3A_17], %reduce_max3A_16 {strides = array<i32>} : memref<2048xf32, #tpu.memory_space<vmem>>, vector<2048xf32>,
    return
  }
  func.func @transform_0(%arg0: i32) -> (i32, i32) {
    %c0_i32 = arith.constant 0 : i32
    %c0_i32_0 = arith.constant 0 : i32
    return %arg0, %c0_i32 : i32, i32
  }
  func.func @transform_1(%arg0: i32) -> i32 {
    %c0_i32 = arith.constant 0 : i32
    return %arg0 : i32
  }
  func.func @transform_2(%arg0: i32) -> i32 {
    %c0_i32 = arith.constant 0 : i32
    return %arg0 : i32
  }
  func.func @transform_3(%arg0: i32) -> i32 {
    %c0_i32 = arith.constant 0 : i32
    return %arg0 : i32
  }
}

module attributes {stable_mosaic.version = 14 : i64} {
  func.func @_combine_body(%arg0: memref<32x45x16xf32, #tpu.memory_space<vmem>>, %arg1: memref<1xf32, #tpu.memory_space<vmem>>) attributes {dimension_semantics = [], scalar_prefetch = 0 : i64, scratch_operands = 0 : i64, tpu.core_type = #tpu.core_type<tc>} {
    %get3A = arith.constant 0 : index
    %get3A_0 = arith.constant 0 : index
    %get3A_1 = arith.constant 0 : index
    %get3A_2 = vector.load %arg0[%get3A, %get3A_0, %get3A_1] : memref<32x45x16xf32, #tpu.memory_space<vmem>>, vector<32x45x16xf32>
    %reduce_sum3A = arith.constant dense<0.000000e+00> : vector<32x45xf32>
    %reduce_sum3A_3 = vector.multi_reduction <add>, %get3A_2, %reduce_sum3A [2] : vector<32x45x16xf32> to vector<32x45xf32>
    %reduce_sum3A_4 = arith.constant dense<0.000000e+00> : vector<45xf32>
    %reduce_sum3A_5 = vector.multi_reduction <add>, %reduce_sum3A_3, %reduce_sum3A_4 [0] : vector<32x45xf32> to vector<45xf32>
    %slice3A = vector.extract_strided_slice %reduce_sum3A_5 {offsets = [0], sizes = [15], strides = [1]} : vector<45xf32> to vector<15xf32>
    %slice3A_6 = vector.extract_strided_slice %reduce_sum3A_5 {offsets = [15], sizes = [15], strides = [1]} : vector<45xf32> to vector<15xf32>
    %slice3A_7 = vector.extract_strided_slice %reduce_sum3A_5 {offsets = [30], sizes = [15], strides = [1]} : vector<45xf32> to vector<15xf32>
    %max3A = arith.constant 1.000000e+00 : f32
    %max3A_8 = vector.broadcast %max3A : f32 to vector<15xf32>
    %max3A_9 = arith.maximumf %slice3A, %max3A_8 : vector<15xf32>
    %div3A = arith.divf %slice3A_6, %max3A_9 : vector<15xf32>
    %div3A_10 = arith.divf %slice3A_7, %max3A_9 : vector<15xf32>
    %sub3A = arith.subf %div3A, %div3A_10 : vector<15xf32>
    %abs3A = math.absf %sub3A : vector<15xf32>
    %div3A_11 = arith.constant 6.553600e+04 : f32
    %div3A_12 = vector.broadcast %div3A_11 : f32 to vector<15xf32>
    %div3A_13 = arith.divf %slice3A, %div3A_12 : vector<15xf32>
    %mul3A = arith.mulf %abs3A, %div3A_13 : vector<15xf32>
    %gt3A = arith.constant 0.000000e+00 : f32
    %gt3A_14 = vector.broadcast %gt3A : f32 to vector<15xf32>
    %gt3A_15 = arith.cmpf ogt, %slice3A, %gt3A_14 : vector<15xf32>
    %jit3A = arith.constant 0.000000e+00 : f32
    %broadcast_in_dim3A = vector.broadcast %jit3A : f32 to vector<15xf32>
    %select_n3A = arith.select %gt3A_15, %mul3A, %broadcast_in_dim3A : vector<15xi1>, vector<15xf32>
    %reduce_sum3A_16 = vector.shape_cast %select_n3A : vector<15xf32> to vector<1x15xf32>
    %reduce_sum3A_17 = arith.constant dense<0.000000e+00> : vector<1xf32>
    %reduce_sum3A_18 = vector.multi_reduction <add>, %reduce_sum3A_16, %reduce_sum3A_17 [1] : vector<1x15xf32> to vector<1xf32>
    %reduce_sum3A_19 = vector.shape_cast %reduce_sum3A_18 : vector<1xf32> to vector<1x1xf32>
    %reduce_sum3A_20 = vector.extract %reduce_sum3A_19[0, 0] : f32 from vector<1x1xf32>
    %broadcast_in_dim3A_21 = vector.broadcast %reduce_sum3A_20 : f32 to vector<1xf32>
    %swap3A = arith.constant 0 : index
    %swap3A_22 = vector.load %arg1[%swap3A] : memref<1xf32, #tpu.memory_space<vmem>>, vector<1xf32>
    tpu.vector_store %arg1[%swap3A], %broadcast_in_dim3A_21 {strides = array<i32>} : memref<1xf32, #tpu.memory_space<vmem>>, vector<1xf32>,
    return
  }
}

</mosaic_0001>

<sc_bundles>
// kernel: kernel.5.cloned.1.call-start
scs
__scs_entry_jumppad:
0x0: {  	(pc) =	sbr.rel $0x88, $3  }
0x1: {  	(tag) =	ssettag $0x0;
	lr =	simm.s32 $0x1  }
0x2: {  	[smem:$0x3F9F] =	sst lr;
	_ =	strace $0xD0000000  }
0x3: {  	_ = 	snop  }
0x4: {  	_ = 	snop  }
0x5: {  	_ = 	snop  }
0x6: {  	_ = 	snop  }
0x7: {  	_ = 	snop  }
__scs_overlays_trampoline_lowered:
0x8: {  	[smem:$0x3FAE] =	sst s0  }
0x9: {  	[smem:$0x3FAF] =	sst s1  }
0xa: {  	[smem:$0x3FB0] =	sst s2  }
0xb: {  	[smem:$0x3FB1] =	sst s3  }
0xc: {  	[smem:$0x3FB2] =	sst s4  }
0xd: {  	[smem:$0x3FB3] =	sst s5  }
0xe: {  	[smem:$0x3FB4] =	sst s6  }
0xf: {  	[smem:$0x3FB5] =	sst s7  }
0x10: {  	[smem:$0x3FB6] =	sst s8  }
0x11: {  	[smem:$0x3FB7] =	sst s9;
	s0 =	simm.s32 @!p0 $0x0  }
0x12: {  	s1 =	sld [smem:$0x3F9D];
	s0 =	simm.s32 @p0 $0x1  }
0x13: {  	[smem:$0x3FB8] =	sst s0;
	s0 =	simm.s32 @!p1 $0x0  }
0x14: {  	s2 =	sld [smem:$0x3F9C];
	s0 =	simm.s32 @p1 $0x1  }
0x15: {  	[smem:$0x3FB9] =	sst s0;
	s0 =	simm.s32 @!p2 $0x0  }
0x16: {  	s3 =	sld [smem:$0x3FDB];
	s0 =	simm.s32 @p2 $0x1  }
0x17: {  	s4 =	simm.s32 $0x1BF5;
	[smem:$0x3FBB] =	sst s0  }
0x18: {  	s0 =	sld [smem:$0x3F9E];
	_ =	swait.ge [sflag:s4], $0x0  }
0x19: {  	s7 =	sld [smem:$0x3F9F]  }
0x1a: {  	s8 =	sadd.s32 $0xFFFFE003, lr  }
0x1b: {  	s9 =	sadd.s32 $0xFFFFFEF7, lr;
	s5 =	simm.s32 $0xFFFFFFFF;
	p2 =	slt.u32 s8, $0xFFFFF086  }
0x1c: {  	p1 =	slt.u32 s9, $0xF7A;
	s5 =	simm.s32 @!p2 $0x0  }
0x1d: {  	s5 =	simm.s32 @p1 $0x1;
	p0 =	seq.s32 s7, s2  }
0x1e: {  	s7 =	smul.u32 @!p0 $0xF7A, s2;
	p2 =	seq.s32 @!p0 s5, $0x0  }
0x1f: {  	s9 =	smul.u32 $0xF7A, s1;
	s8 =	simm.s32 @!p0 $0x1BF5;
	p2 =	por !p2, p0  }
0x20: {  	[sflag:s8] =	ssyncset.s32 @!p0 $0xFFFFF086;
	s6 =	sadd.s32 @!p0 s3, s7;
	s7 =	simm.s32 @!p0 $0x108  }
0x21: {  	s3 =	sadd.s32 s3, s9;
	s6 =	sadd.s32 @!p0 $0x88, s6;
	s7 =	simm.s32 @p2 $0x1082  }
0x22: {  	[simem:s7], [sflag:s8] =	dma.local @!p0 [hbm:s6], $0xF7A  }
0x23: {  	s9 =	sor.u32 $0xD0000000, s2;
	s6 =	simm.s32 $0x108;
	_ =	swait.ge @!p0 [sflag:s8], $0x0  }
0x24: {  	s3 =	sadd.s32 $0x88, s3;
	s6 =	simm.s32 @!p1 $0x1082;
	[sflag:s4] =	ssyncset.s32 $0xFFFFF086  }
0x25: {  	[simem:s6], [sflag:s4] =	dma.local [hbm:s3], $0xF7A  }
0x26: {  	[smem:$0x3F9F] =	sst s1;
	(tag) =	ssettag s2;
	_ =	strace s9  }
0x27: {  	s1 =	sld [smem:$0x3FAF]  }
0x28: {  	s2 =	sld [smem:$0x3FB0]  }
0x29: {  	s4 =	sld [smem:$0x3FB2]  }
0x2a: {  	p0 =	seq.s32 s5, $0x0;
	s5 =	sld [smem:$0x3FB3]  }
0x2b: {  	s6 =	sld [smem:$0x3FB4]  }
0x2c: {  	s7 =	sld [smem:$0x3FB5]  }
0x2d: {  	s3 =	simm.s32 $0x108;
	s8 =	sld [smem:$0x3FB6]  }
0x2e: {  	s3 =	simm.s32 @!p0 $0x1082;
	s9 =	sld [smem:$0x3FB7]  }
0x2f: {  	lr =	sadd.s32 s0, s3;
	s0 =	sld [smem:$0x3FAE]  }
0x30: {  	s3 =	sld [smem:$0x3FB1]  }
0x31: {  	[smem:$0x3FBA] =	sst s10  }
0x32: {  	s10 =	sld [smem:$0x3FB8];
	_ =	sdelay $0x3  }
0x33: {  	p0 =	seq.s32 s10, $0x1;
	s10 =	sld [smem:$0x3FBA];
	_ =	sdelay $0x3  }
0x34: {  	[smem:$0x3FBA] =	sst s10  }
0x35: {  	s10 =	sld [smem:$0x3FB9];
	_ =	sdelay $0x3  }
0x36: {  	p1 =	seq.s32 s10, $0x1;
	s10 =	sld [smem:$0x3FBA];
	_ =	sdelay $0x3  }
0x37: {  	[smem:$0x3FBA] =	sst s10  }
0x38: {  	s10 =	sld [smem:$0x3FBB]  }
0x39: {  	_ = 	snop;
	(pc) =	sbr.ind lr, $3  }
0x3a: {  	_ = 	snop  }
0x3b: {  	_ = 	snop  }
0x3c: {  	p2 =	seq.s32 s10, $0x1;
	s10 =	sld [smem:$0x3FBA]  }
0x3d: {  	_ =	shalt  }
0x3e: {  	_ =	shalt  }
0x3f: {  	_ =	shalt  }
0x40: {  	_ =	shalt  }
0x41: {  	_ =	shalt  }
0x42: {  	_ =	shalt  }
0x43: {  	_ =	shalt  }
0x44: {  	_ =	shalt  }
0x45: {  	_ =	shalt  }
0x46: {  	_ =	shalt  }
0x47: {  	_ =	shalt  }
0x48: {  	_ =	shalt  }
0x49: {  	_ =	shalt  }
0x4a: {  	_ =	shalt  }
0x4b: {  	_ =	shalt  }
0x4c: {  	_ =	shalt  }
0x4d: {  	_ =	shalt  }
0x4e: {  	_ =	shalt  }
0x4f: {  	_ =	shalt  }
0x50: {  	_ =	shalt  }
0x51: {  	_ =	shalt  }
0x52: {  	_ =	shalt  }
0x53: {  	_ =	shalt  }
0x54: {  	_ =	shalt  }
0x55: {  	_ =	shalt  }
0x56: {  	_ =	shalt  }
0x57: {  	_ =	shalt  }
0x58: {  	_ =	shalt  }
0x59: {  	_ =	shalt  }
0x5a: {  	_ =	shalt  }
0x5b: {  	_ =	shalt  }
0x5c: {  	_ =	shalt  }
0x5d: {  	_ =	shalt  }
0x5e: {  	_ =	shalt  }
0x5f: {  	_ =	shalt  }
0x60: {  	_ =	shalt  }
0x61: {  	_ =	shalt  }
0x62: {  	_ =	shalt  }
0x63: {  	_ =	shalt  }
0x64: {  	_ =	shalt  }
0x65: {  	_ =	shalt  }
0x66: {  	_ =	shalt  }
0x67: {  	_ =	shalt  }
0x68: {  	_ =	shalt  }
0x69: {  	_ =	shalt  }
0x6a: {  	_ =	shalt  }
0x6b: {  	_ =	shalt  }
0x6c: {  	_ =	shalt  }
0x6d: {  	_ =	shalt  }
0x6e: {  	_ =	shalt  }
0x6f: {  	_ =	shalt  }
0x70: {  	_ =	shalt  }
0x71: {  	_ =	shalt  }
0x72: {  	_ =	shalt  }
0x73: {  	_ =	shalt  }
0x74: {  	_ =	shalt  }
0x75: {  	_ =	shalt  }
0x76: {  	_ =	shalt  }
0x77: {  	_ =	shalt  }
0x78: {  	_ =	shalt  }
0x79: {  	_ =	shalt  }
0x7a: {  	_ =	shalt  }
0x7b: {  	_ =	shalt  }
0x7c: {  	_ =	shalt  }
0x7d: {  	_ =	shalt  }
0x7e: {  	_ =	shalt  }
0x7f: {  	_ =	shalt  }
0x80: {  	_ =	shalt  }
0x81: {  	_ =	shalt  }
0x82: {  	_ =	shalt  }
0x83: {  	_ =	shalt  }
0x84: {  	_ =	shalt  }
0x85: {  	_ =	shalt  }
0x86: {  	_ =	shalt  }
0x87: {  	_ =	shalt  }
.Lfunc_end0:
.L_simem_size_0:
called_computation_lowered:
.L_overlay_start_0:
0x88: {  	s2 =	sld [smem:$0x3FD9]  }
0x89: {  	s3 =	sld [smem:$0x3FFE];
	_ =	sdelay $0x1  }
0x8a: {  	s1 =	srdreg.scid  }
0x8b: {  	s0 =	sand.u32 $0x1, s1  }
0x8c: {  	s16 =	sshll.u32 s0, $0xA;
	s2 =	sadd.s32 s3, s2  }
0x8d: {  	s2 =	sadd.s32 s2, s16  }
0x8e: {  	[smem:$0x3FC6] =	sst s2  }
0x8f: {  	_ = 	snop  }
0x90: {  	(tm) =	ssettm $0x1  }
0x91: {  	s17 =	sld [smem:$0x3FFB];
	_ =	sdelay $0x3  }
0x92: {  	_ =	strace s17  }
0x93: {  	s2 =	sld [smem:$0x3FFC];
	_ =	sdelay $0x3  }
0x94: {  	_ =	strace s2  }
0x95: {  	s2 =	sld [smem:$0x3FFD];
	_ =	sdelay $0x3  }
0x96: {  	_ =	strace s2  }
0x97: {  	_ =	strace $0x8FFFFFFF  }
0x98: {  	s18 =	sld [smem:$0x3FDB];
	_ =	sdelay $0x1  }
0x99: {  	s19 =	simm.s32 $_scs_section_size  }
0x9a: {  	s4 =	simm.s32 $_size__tile_overlayer_lowered;
	s5 =	simm.s32 $_tile_overlayer_lowered  }
0x9b: {  	s22 =	simm.s32 $0x1BFF;
	s21 =	sshll.u32 s5, $0x1;
	s2 =	sadd.s32 s19, s18  }
0x9c: {  	s6 =	simm.s32 $0x0;
	s20 =	sshll.u32 s4, $0x1;
	s4 =	sadd.s32 s21, s2  }
0x9d: {  	[timem:s6], [sflag:s22] =	dma.local [hbm:s4], s20  }
0x9e: {  	_ =	swait.ge [sflag:s22], s20  }
0x9f: {  	s3 =	ssub.s32 $0x0, s20;
	[sflag:s22] =	ssyncset.done $0x0  }
0xa0: {  	[sflag:s22] =	ssyncadd.s32 s3;
	_ =	sdelay $0x1  }
0xa1: {  	s23 =	simm.s32 $0x1B8B  }
0xa2: {  	_ =	swait.ge [sflag:s23], $0x1  }
0xa3: {  	[sflag:s23] =	ssyncset.done $0x0  }
0xa4: {  	s25 =	simm.s32 $0x1B8E;
	s24 =	sld [smem:$0x3FFE];
	[sflag:s23] =	ssyncadd.s32 $0xFFFFFFFF  }
0xa5: {  	s26 =	simm.s32 $execute0_lowered;
	[smem:$0x3FD2] =	sst s25  }
0xa6: {  	s4 =	sshll.u32 s26, $0x1;
	_ =	strace $0x80000046;
	[dreg:$0x1] =	wrdreg $0xFFFFFFFF  }
0xa7: {  	s28 =	simm.s32 $_size_execute0_lowered;
	s2 =	sadd.s32 s2, s4;
	[dreg:$0x0] =	wrdreg $0x0  }
0xa8: {  	s4 =	sshll.u32 s28, $0x1;
	[dreg:$0x2] =	wrdreg s2  }
0xa9: {  	[dreg:$0x3] =	wrdreg s4  }
0xaa: {  	[dreg:$0x4] =	wrdreg $0xC0  }
0xab: {  	_ =	task [dreg:s6], $0x5FFFF  }
0xac: {  	[dreg:$0x1] =	wrdreg $0xFFFFFFFF  }
0xad: {  	[dreg:$0x0] =	wrdreg $0x60  }
0xae: {  	[dreg:$0x2] =	wrdreg s24  }
0xaf: {  	[dreg:$0x3] =	wrdreg $0x9  }
0xb0: {  	_ =	task.clear_ibuf [dreg:s6], $0x4FFFF;
	_ =	strace $0x90000046  }
0xb1: {  	s29 =	simm.s32 $0x9;
	_ =	strace $0x80000048  }
0xb2: {  	_ =	swait.ge [sflag:s29], $0x1  }
0xb3: {  	[sflag:s29] =	ssyncadd.s32 $0xFFFFFFFF  }
0xb4: {  	_ =	strace $0x90000048  }
0xb5: {  	_ =	sfence  }
0xb6: {  	s30 =	sld [smem:$0x0];
	_ =	sdelay $0x2  }
0xb7: {  	s31 =	sshll.u32 s1, $0xD;
	s1 =	sshrl.u32 s1, $0x2  }
0xb8: {  	s3 =	sand.u32 $0x4000, s31;
	s1 =	sadd.s32 s1, s30  }
0xb9: {  	s0 =	sor.u32 s3, s0;
	s1 =	sshll.u32 s1, $0x11  }
0xba: {  	s0 =	sor.u32 s1, s0  }
0xbb: {  	s0 =	sadd.s32 $0x8F2B, s0  }
0xbc: {  	[sflag:s0] =	ssyncadd.remote.s32 $0x1  }
0xbd: {  	_ =	sfence.sel $0xFFFF  }
0xbe: {  	[dreg:$0x0] =	wrdreg $0xFFFFFFFF;
	(pc) =	sbr.abs _section_cstart, $3  }
0xbf: {  	[dreg:$0x1] =	wrdreg $0xFFFFFFFF  }
0xc0: {  	_ =	task.clear_ibuf [dreg:s6], $0x2FFFF;
	_ =	strace $0x9FFFFFFF  }
0xc1: {  	(tm) =	ssettm $0x7FFFFFFF  }
tec
execute0_lowered:
.L_overlay_start_1:
0x0: {  	(tag) =	ssettag $0x1  }
0x1: {  	s0 =	rddreg [dreg:$0x0];
	s6 =	simm.s32 $0x0  }
0x2: {  	s2 =	simm.s32 $0x1780;
	[smem:$0x7FF] =	sst s6  }
0x3: {  	s12 =	simm.s32 $0x1F00;
	_ =	strace $0x80000047;
	[dreg:$0x2] =	wrdreg s2  }
0x4: {  	s13 =	simm.s32 $0x1080;
	[dreg:$0x3] =	wrdreg s12  }
0x5: {  	s14 =	simm.s32 $0x1800;
	[dreg:$0x4] =	wrdreg s13  }
0x6: {  	s15 =	simm.s32 $0x1F80;
	[dreg:$0x5] =	wrdreg s14  }
0x7: {  	s16 =	simm.s32 $0x1100;
	[dreg:$0x6] =	wrdreg s15  }
0x8: {  	s17 =	simm.s32 $0x1880;
	[dreg:$0x7] =	wrdreg s16  }
0x9: {  	s18 =	simm.s32 $0x2000;
	[dreg:$0x8] =	wrdreg s17  }
0xa: {  	s19 =	simm.s32 $0x1180;
	[dreg:$0x9] =	wrdreg s18  }
0xb: {  	s21 =	simm.s32 $0x1900;
	[dreg:$0xa] =	wrdreg s19  }
0xc: {  	s22 =	simm.s32 $0x2080;
	[dreg:$0xb] =	wrdreg s21  }
0xd: {  	s1 =	srdreg.scid;
	s24 =	simm.s32 $0x1200;
	[dreg:$0xc] =	wrdreg s22  }
0xe: {  	s3 =	stileid.u32;
	s26 =	simm.s32 $0x1980;
	[dreg:$0xd] =	wrdreg s24  }
0xf: {  	s28 =	simm.s32 $0x2100;
	s29 =	simm.s32 $0x1280;
	[dreg:$0xe] =	wrdreg s26  }
0x10: {  	s1 =	sand.u32 $0x1, s1;
	s3 =	sshll.u32 s3, $0x1;
	[dreg:$0xf] =	wrdreg s28  }
0x11: {  	s30 =	simm.s32 $0x1A00;
	s3 =	sor.u32 s1, s3;
	[dreg:$0x10] =	wrdreg s29  }
0x12: {  	s31 =	simm.s32 $0x2180;
	[dreg:$0x11] =	wrdreg s30;
	s4 =	sshll.u32 s3, $0x8  }
0x13: {  	s1 =	ssub.s32 $0x2, s1;
	[dreg:$0x12] =	wrdreg s31;
	s4 =	sadd.s32 s4, s0  }
0x14: {  	s3 =	smul.u32 $0x300, s3;
	s20 =	sshrl.u32 s1, $0x1;
	s23 =	sadd.s32 $0xE00, s4  }
0x15: {  	s1 =	ssub.s32 s1, s20;
	s25 =	sadd.s32 $0x2E00, s4;
	[dreg:$0x13] =	wrdreg s23  }
0x16: {  	s0 =	sadd.s32 s3, s0;
	s1 =	smax.u32 s1, $0x1;
	[dreg:$0x14] =	wrdreg s25  }
0x17: {  	s7 =	simm.s32 $0x1;
	s0 =	sadd.s32 $0x4E00, s0;
	[dreg:$0x16] =	wrdreg s1  }
0x18: {  	v0 =	vimm.f32 $0.0e+00;
	s12 =	simm.s32 $0x1000;
	[dreg:$0x15] =	wrdreg s0;
	s0 =	simm.s32 $0x0  }
.LBB2_1:
0x19: {  	[dreg:$0x17] =	wrdreg s0  }
0x1a: {  	s2 =	rddreg [dreg:$0x13]  }
0x1b: {  	[tilespmem:s6], [sflag:$0x1] =	stream.linear.gather [hbm4b:s2+s6], $0x800, $0x38;
	[tilespmem:$0x2800] =	vst v63  }
0x1c: {  	_ =	swait.ge [sflag:s7], $0x800  }
0x1d: {  	[sflag:s7] =	ssyncset.done $0x0  }
0x1e: {  	s9 =	simm.s32 $0x800;
	s11 =	rddreg [dreg:$0x14];
	[sflag:s7] =	ssyncadd.s32 $0xFFFFF800  }
0x1f: {  	[tilespmem:s9], [sflag:$0x1] =	stream.linear.gather [hbm4b:s11+s6], $0x800, $0x38;
	[tilespmem:$0x2800] =	vst v63  }
0x20: {  	_ =	swait.ge [sflag:s7], $0x800  }
0x21: {  	[sflag:s7] =	ssyncset.done $0x0  }
0x22: {  	[sflag:s7] =	ssyncadd.s32 $0xFFFFF800  }
0x23: {  	[tilespmem:$0x1000] =	vst v0  }
0x24: {  	[tilespmem:$0x1080] =	vst v0  }
0x25: {  	[tilespmem:$0x1100] =	vst v0  }
0x26: {  	[tilespmem:$0x1180] =	vst v0  }
0x27: {  	[tilespmem:$0x1200] =	vst v0  }
0x28: {  	[tilespmem:$0x1280] =	vst v0  }
0x29: {  	[tilespmem:$0x1300] =	vst v0  }
0x2a: {  	[tilespmem:$0x1380] =	vst v0  }
0x2b: {  	[tilespmem:$0x1400] =	vst v0  }
0x2c: {  	[tilespmem:$0x1480] =	vst v0  }
0x2d: {  	[tilespmem:$0x1500] =	vst v0  }
0x2e: {  	[tilespmem:$0x1580] =	vst v0  }
0x2f: {  	[tilespmem:$0x1600] =	vst v0  }
0x30: {  	[tilespmem:$0x1680] =	vst v0  }
0x31: {  	[tilespmem:$0x1700] =	vst v0  }
0x32: {  	[tilespmem:$0x1780] =	vst v0  }
0x33: {  	[tilespmem:$0x1800] =	vst v0  }
0x34: {  	[tilespmem:$0x1880] =	vst v0  }
0x35: {  	[tilespmem:$0x1900] =	vst v0  }
0x36: {  	[tilespmem:$0x1980] =	vst v0  }
0x37: {  	[tilespmem:$0x1A00] =	vst v0  }
0x38: {  	[tilespmem:$0x1A80] =	vst v0  }
0x39: {  	[tilespmem:$0x1B00] =	vst v0  }
0x3a: {  	[tilespmem:$0x1B80] =	vst v0  }
0x3b: {  	[tilespmem:$0x1C00] =	vst v0  }
0x3c: {  	[tilespmem:$0x1C80] =	vst v0  }
0x3d: {  	[tilespmem:$0x1D00] =	vst v0  }
0x3e: {  	[tilespmem:$0x1D80] =	vst v0  }
0x3f: {  	[tilespmem:$0x1E00] =	vst v0  }
0x40: {  	[tilespmem:$0x1E80] =	vst v0  }
0x41: {  	[tilespmem:$0x1F00] =	vst v0  }
0x42: {  	[tilespmem:$0x1F80] =	vst v0  }
0x43: {  	[tilespmem:$0x2000] =	vst v0  }
0x44: {  	[tilespmem:$0x2080] =	vst v0  }
0x45: {  	[tilespmem:$0x2100] =	vst v0  }
0x46: {  	[tilespmem:$0x2180] =	vst v0  }
0x47: {  	[tilespmem:$0x2200] =	vst v0  }
0x48: {  	[tilespmem:$0x2280] =	vst v0  }
0x49: {  	s14 =	simm.s32 $0x1B00;
	s15 =	simm.s32 $0x2280;
	s16 =	simm.s32 $0x1400;
	[tilespmem:$0x2300] =	vst v0  }
0x4a: {  	s17 =	simm.s32 $0x1B80;
	s18 =	simm.s32 $0x2300;
	s19 =	simm.s32 $0x1480;
	[tilespmem:$0x2380] =	vst v0  }
0x4b: {  	s20 =	simm.s32 $0x1C00;
	s21 =	simm.s32 $0x2380;
	s22 =	simm.s32 $0x1500;
	[tilespmem:$0x2400] =	vst v0  }
0x4c: {  	s23 =	simm.s32 $0x1C80;
	s24 =	simm.s32 $0x2400;
	s25 =	simm.s32 $0x1580;
	[tilespmem:$0x2480] =	vst v0  }
0x4d: {  	s26 =	simm.s32 $0x1D00;
	s28 =	simm.s32 $0x2480;
	s29 =	simm.s32 $0x1600;
	[tilespmem:$0x2500] =	vst v0  }
0x4e: {  	s30 =	simm.s32 $0x1D80;
	s31 =	simm.s32 $0x2500;
	s0 =	simm.s32 $0x1680;
	[tilespmem:$0x2580] =	vst v0  }
0x4f: {  	s1 =	simm.s32 $0x1E00;
	s8 =	simm.s32 $0x2580;
	s13 =	simm.s32 $0x0;
	[tilespmem:$0x2600] =	vst v0  }
0x50: {  	s3 =	simm.s32 $0x1700;
	s4 =	simm.s32 $0x1E80;
	s5 =	simm.s32 $0x2600;
	v1 =	vld [tilespmem:s13+$0x0]  }
0x51: {  	s2 =	simm.s32 $0x40;
	s9 =	rddreg [dreg:$0x3];
	s7 =	simm.s32 $0x80;
	v2 =	vld [tilespmem:s13+$0x800]  }
.LBB2_2:
0x52: {  	_ =	sdelay $0x2  }
0x53: {  	vm0 =	vgt.f32 v1, $0.0e+00;
	vm1 =	vle.f32 v1, $6.666667010e-02  }
0x54: {  	vm0 =	vmand vm0, vm1  }
0x55: {  	v3 =	vsel vm0, $0x3F800000, v0  }
0x56: {  	vm12 =	vgt.f32 v1, $6.666667010e-02;
	vm13 =	vle.f32 v1, $1.333333400e-01;
	v4 =	vmul.f32 v3, v1  }
0x57: {  	s10 =	rddreg [dreg:$0x2];
	vm0 =	vmand vm12, vm13;
	[tilespmem:s12+$0x0] =	vst.add.f32.msk $0xffff, v3;
	v3 =	vmul.f32 v3, v2  }
0x58: {  	v5 =	vsel vm0, $0x3F800000, v0;
	[tilespmem:s10+$0x0] =	vst.add.f32.msk $0xffff, v4  }
0x59: {  	s11 =	rddreg [dreg:$0x4];
	vm14 =	vgt.f32 v1, $1.333333400e-01;
	vm15 =	vle.f32 v1, $2.000000030e-01;
	v38 =	vmul.f32 v5, v1;
	[tilespmem:s9+$0x0] =	vst.add.f32.msk $0xffff, v3  }
0x5a: {  	s12 =	rddreg [dreg:$0x5];
	vm0 =	vmand vm14, vm15;
	v3 =	vmul.f32 v5, v2;
	[tilespmem:s11+$0x0] =	vst.add.f32.msk $0xffff, v5  }
0x5b: {  	s13 =	rddreg [dreg:$0x6];
	v39 =	vsel vm0, $0x3F800000, v0;
	[tilespmem:s12+$0x0] =	vst.add.f32.msk $0xffff, v38  }
0x5c: {  	vm4 =	vgt.f32 v1, $2.000000030e-01;
	vm5 =	vle.f32 v1, $2.666666810e-01;
	s10 =	rddreg [dreg:$0x7];
	v40 =	vmul.f32 v39, v1;
	[tilespmem:s13+$0x0] =	vst.add.f32.msk $0xffff, v3  }
0x5d: {  	vm0 =	vmand vm4, vm5;
	s9 =	rddreg [dreg:$0x8];
	v3 =	vmul.f32 v39, v2;
	[tilespmem:s10+$0x0] =	vst.add.f32.msk $0xffff, v39  }
0x5e: {  	v41 =	vsel vm0, $0x3F800000, v0;
	s11 =	rddreg [dreg:$0x9];
	[tilespmem:s9+$0x0] =	vst.add.f32.msk $0xffff, v40  }
0x5f: {  	vm6 =	vle.f32 v1, $3.333333430e-01;
	vm7 =	vgt.f32 v1, $2.666666810e-01;
	v42 =	vmul.f32 v41, v1;
	s12 =	rddreg [dreg:$0xa];
	[tilespmem:s11+$0x0] =	vst.add.f32.msk $0xffff, v3  }
0x60: {  	vm0 =	vmand vm7, vm6;
	v6 =	vmul.f32 v41, v2;
	s13 =	rddreg [dreg:$0xb];
	[tilespmem:s12+$0x0] =	vst.add.f32.msk $0xffff, v41  }
0x61: {  	s10 =	rddreg [dreg:$0xc];
	v3 =	vsel vm0, $0x3F800000, v0;
	[tilespmem:s13+$0x0] =	vst.add.f32.msk $0xffff, v42  }
0x62: {  	vm8 =	vle.f32 v1, $4.000000060e-01;
	vm9 =	vgt.f32 v1, $3.333333430e-01;
	s9 =	rddreg [dreg:$0xd];
	v43 =	vmul.f32 v3, v1;
	[tilespmem:s10+$0x0] =	vst.add.f32.msk $0xffff, v6  }
0x63: {  	s11 =	rddreg [dreg:$0xe];
	vm0 =	vmand vm9, vm8;
	v44 =	vmul.f32 v3, v2;
	[tilespmem:s9+$0x0] =	vst.add.f32.msk $0xffff, v3  }
0x64: {  	s12 =	rddreg [dreg:$0xf];
	v3 =	vsel vm0, $0x3F800000, v0;
	[tilespmem:s11+$0x0] =	vst.add.f32.msk $0xffff, v43  }
0x65: {  	vm10 =	vle.f32 v1, $4.666666690e-01;
	vm11 =	vgt.f32 v1, $4.000000060e-01;
	s13 =	rddreg [dreg:$0x10];
	v45 =	vmul.f32 v3, v1;
	[tilespmem:s12+$0x0] =	vst.add.f32.msk $0xffff, v44  }
0x66: {  	s10 =	rddreg [dreg:$0x11];
	vm0 =	vmand vm11, vm10;
	v46 =	vmul.f32 v3, v2;
	[tilespmem:s13+$0x0] =	vst.add.f32.msk $0xffff, v3  }
0x67: {  	s9 =	rddreg [dreg:$0x12];
	v3 =	vsel vm0, $0x3F800000, v0;
	[tilespmem:s10+$0x0] =	vst.add.f32.msk $0xffff, v45  }
0x68: {  	vm12 =	vle.f32 v1, $5.333333610e-01;
	vm13 =	vgt.f32 v1, $4.666666690e-01;
	s10 =	simm.s32 $0x1300;
	v47 =	vmul.f32 v3, v1;
	[tilespmem:s9+$0x0] =	vst.add.f32.msk $0xffff, v46  }
0x69: {  	s11 =	simm.s32 $0x1A80;
	vm0 =	vmand vm13, vm12;
	v48 =	vmul.f32 v3, v2;
	[tilespmem:s10+$0x0] =	vst.add.f32.msk $0xffff, v3  }
0x6a: {  	s13 =	simm.s32 $0x2200;
	v3 =	vsel vm0, $0x3F800000, v0;
	[tilespmem:s11+$0x0] =	vst.add.f32.msk $0xffff, v47  }
0x6b: {  	vm14 =	vle.f32 v1, $6.000000240e-01;
	vm15 =	vgt.f32 v1, $5.333333610e-01;
	s9 =	simm.s32 $0x1380;
	v49 =	vmul.f32 v3, v1;
	[tilespmem:s13+$0x0] =	vst.add.f32.msk $0xffff, v48  }
0x6c: {  	vm0 =	vmand vm15, vm14;
	v50 =	vmul.f32 v3, v2;
	[tilespmem:s9+$0x0] =	vst.add.f32.msk $0xffff, v3  }
0x6d: {  	v3 =	vsel vm0, $0x3F800000, v0;
	[tilespmem:s14+$0x0] =	vst.add.f32.msk $0xffff, v49  }
0x6e: {  	vm4 =	vgt.f32 v1, $6.000000240e-01;
	vm5 =	vle.f32 v1, $6.666666860e-01;
	v51 =	vmul.f32 v3, v1;
	[tilespmem:s15+$0x0] =	vst.add.f32.msk $0xffff, v50  }
0x6f: {  	vm0 =	vmand vm4, vm5;
	v52 =	vmul.f32 v3, v2;
	[tilespmem:s16+$0x0] =	vst.add.f32.msk $0xffff, v3  }
0x70: {  	v53 =	vsel vm0, $0x3F800000, v0;
	[tilespmem:s17+$0x0] =	vst.add.f32.msk $0xffff, v51  }
0x71: {  	vm6 =	vle.f32 v1, $7.333333490e-01;
	vm7 =	vgt.f32 v1, $6.666666860e-01;
	v3 =	vmul.f32 v53, v1;
	[tilespmem:s18+$0x0] =	vst.add.f32.msk $0xffff, v52  }
0x72: {  	vm0 =	vmand vm7, vm6;
	v7 =	vmul.f32 v53, v2;
	[tilespmem:s19+$0x0] =	vst.add.f32.msk $0xffff, v53  }
0x73: {  	v54 =	vsel vm0, $0x3F800000, v0;
	[tilespmem:s20+$0x0] =	vst.add.f32.msk $0xffff, v3  }
0x74: {  	vm8 =	vle.f32 v1, $8.000000110e-01;
	vm9 =	vgt.f32 v1, $7.333333490e-01;
	v55 =	vmul.f32 v54, v1;
	[tilespmem:s21+$0x0] =	vst.add.f32.msk $0xffff, v7  }
0x75: {  	vm0 =	vmand vm9, vm8;
	v56 =	vmul.f32 v54, v2;
	[tilespmem:s22+$0x0] =	vst.add.f32.msk $0xffff, v54  }
0x76: {  	v3 =	vsel vm0, $0x3F800000, v0;
	[tilespmem:s23+$0x0] =	vst.add.f32.msk $0xffff, v55  }
0x77: {  	vm10 =	vgt.f32 v1, $8.000000110e-01;
	vm11 =	vle.f32 v1, $8.666666740e-01;
	v57 =	vmul.f32 v3, v1;
	[tilespmem:s24+$0x0] =	vst.add.f32.msk $0xffff, v56  }
0x78: {  	vm0 =	vmand vm10, vm11;
	v58 =	vmul.f32 v3, v2;
	[tilespmem:s25+$0x0] =	vst.add.f32.msk $0xffff, v3  }
0x79: {  	v59 =	vsel vm0, $0x3F800000, v0;
	[tilespmem:s26+$0x0] =	vst.add.f32.msk $0xffff, v57  }
0x7a: {  	vm12 =	vle.f32 v1, $9.333333370e-01;
	vm13 =	vgt.f32 v1, $8.666666740e-01;
	v3 =	vmul.f32 v59, v1;
	[tilespmem:s28+$0x0] =	vst.add.f32.msk $0xffff, v58  }
0x7b: {  	vm0 =	vmand vm13, vm12;
	v60 =	vmul.f32 v59, v2;
	[tilespmem:s29+$0x0] =	vst.add.f32.msk $0xffff, v59  }
0x7c: {  	v61 =	vsel vm0, $0x3F800000, v0;
	[tilespmem:s30+$0x0] =	vst.add.f32.msk $0xffff, v3  }
0x7d: {  	vm14 =	vle.f32 v1, $1.000000000e+00;
	vm15 =	vgt.f32 v1, $9.333333370e-01;
	v62 =	vmul.f32 v61, v1;
	[tilespmem:s31+$0x0] =	vst.add.f32.msk $0xffff, v60  }
0x7e: {  	vm0 =	vmand vm15, vm14;
	v63 =	vmul.f32 v61, v2;
	[tilespmem:s0+$0x0] =	vst.add.f32.msk $0xffff, v61  }
0x7f: {  	v3 =	vsel vm0, $0x3F800000, v0;
	[tilespmem:s1+$0x0] =	vst.add.f32.msk $0xffff, v62  }
0x80: {  	p0 =	sne.s32 s7, $0x1FC0;
	v1 =	vmul.f32 v3, v1;
	[tilespmem:s8+$0x0] =	vst.add.f32.msk $0xffff, v63  }
.Ltmp0:
0x81: {  	v2 =	vmul.f32 v3, v2;
	[tilespmem:s3+$0x0] =	vst.add.f32.msk $0xffff, v3;
	(pc) =	sbr.rel @p0 .LBB2_2-.Ltmp0, $4  }
0x82: {  	[tilespmem:s4+$0x0] =	vst.add.f32.msk $0xffff, v1  }
0x83: {  	s6 =	sshra.s32 s2, $0x2;
	[tilespmem:s5+$0x0] =	vst.add.f32.msk $0xffff, v2  }
0x84: {  	s2 =	smov.u32 s7;
	v1 =	vld [tilespmem:s6+$0x0]  }
0x85: {  	s7 =	sadd.s32 $0x40, s7;
	s12 =	simm.s32 $0x1000;
	s9 =	rddreg [dreg:$0x3];
	v2 =	vld [tilespmem:s6+$0x800]  }
0x86: {  	_ =	sdelay $0x2  }
0x87: {  	vm0 =	vgt.f32 v1, $0.0e+00;
	vm1 =	vle.f32 v1, $6.666667010e-02  }
0x88: {  	vm0 =	vmand vm0, vm1  }
0x89: {  	v3 =	vsel vm0, $0x3F800000, v0  }
0x8a: {  	vm6 =	vgt.f32 v1, $6.666667010e-02;
	vm7 =	vle.f32 v1, $1.333333400e-01;
	v4 =	vmul.f32 v3, v1  }
0x8b: {  	s6 =	rddreg [dreg:$0x2];
	vm0 =	vmand vm6, vm7;
	[tilespmem:s12+$0x0] =	vst.add.f32.msk $0xffff, v3;
	v3 =	vmul.f32 v3, v2  }
0x8c: {  	v16 =	vsel vm0, $0x3F800000, v0;
	[tilespmem:s6+$0x0] =	vst.add.f32.msk $0xffff, v4  }
0x8d: {  	s7 =	rddreg [dreg:$0x4];
	vm8 =	vgt.f32 v1, $1.333333400e-01;
	vm9 =	vle.f32 v1, $2.000000030e-01;
	[tilespmem:s9+$0x0] =	vst.add.f32.msk $0xffff, v3;
	v3 =	vmul.f32 v16, v1  }
0x8e: {  	s14 =	rddreg [dreg:$0x5];
	vm0 =	vmand vm8, vm9;
	v4 =	vmul.f32 v16, v2;
	[tilespmem:s7+$0x0] =	vst.add.f32.msk $0xffff, v16  }
0x8f: {  	s15 =	rddreg [dreg:$0x6];
	[tilespmem:s14+$0x0] =	vst.add.f32.msk $0xffff, v3;
	v3 =	vsel vm0, $0x3F800000, v0  }
0x90: {  	s16 =	rddreg [dreg:$0x7];
	vm10 =	vgt.f32 v1, $2.000000030e-01;
	vm11 =	vle.f32 v1, $2.666666810e-01;
	[tilespmem:s15+$0x0] =	vst.add.f32.msk $0xffff, v4;
	v17 =	vmul.f32 v3, v1  }
0x91: {  	s17 =	rddreg [dreg:$0x8];
	vm0 =	vmand vm10, vm11;
	[tilespmem:s16+$0x0] =	vst.add.f32.msk $0xffff, v3;
	v3 =	vmul.f32 v3, v2  }
0x92: {  	s18 =	rddreg [dreg:$0x9];
	v18 =	vsel vm0, $0x3F800000, v0;
	[tilespmem:s17+$0x0] =	vst.add.f32.msk $0xffff, v17  }
0x93: {  	s19 =	rddreg [dreg:$0xa];
	vm12 =	vle.f32 v1, $3.333333430e-01;
	vm13 =	vgt.f32 v1, $2.666666810e-01;
	[tilespmem:s18+$0x0] =	vst.add.f32.msk $0xffff, v3;
	v3 =	vmul.f32 v18, v1  }
0x94: {  	s20 =	rddreg [dreg:$0xb];
	vm0 =	vmand vm13, vm12;
	v5 =	vmul.f32 v18, v2;
	[tilespmem:s19+$0x0] =	vst.add.f32.msk $0xffff, v18  }
0x95: {  	s21 =	rddreg [dreg:$0xc];
	[tilespmem:s20+$0x0] =	vst.add.f32.msk $0xffff, v3;
	v3 =	vsel vm0, $0x3F800000, v0  }
0x96: {  	s22 =	rddreg [dreg:$0xd];
	vm14 =	vle.f32 v1, $4.000000060e-01;
	vm15 =	vgt.f32 v1, $3.333333430e-01;
	[tilespmem:s21+$0x0] =	vst.add.f32.msk $0xffff, v5;
	v19 =	vmul.f32 v3, v1  }
0x97: {  	s23 =	rddreg [dreg:$0xe];
	vm0 =	vmand vm15, vm14;
	v20 =	vmul.f32 v3, v2;
	[tilespmem:s22+$0x0] =	vst.add.f32.msk $0xffff, v3  }
0x98: {  	s24 =	rddreg [dreg:$0xf];
	v3 =	vsel vm0, $0x3F800000, v0;
	[tilespmem:s23+$0x0] =	vst.add.f32.msk $0xffff, v19  }
0x99: {  	s25 =	rddreg [dreg:$0x10];
	vm4 =	vle.f32 v1, $4.666666690e-01;
	vm5 =	vgt.f32 v1, $4.000000060e-01;
	v21 =	vmul.f32 v3, v1;
	[tilespmem:s24+$0x0] =	vst.add.f32.msk $0xffff, v20  }
0x9a: {  	s26 =	rddreg [dreg:$0x11];
	vm0 =	vmand vm5, vm4;
	[tilespmem:s25+$0x0] =	vst.add.f32.msk $0xffff, v3;
	v3 =	vmul.f32 v3, v2  }
0x9b: {  	s28 =	rddreg [dreg:$0x12];
	v22 =	vsel vm0, $0x3F800000, v0;
	[tilespmem:s26+$0x0] =	vst.add.f32.msk $0xffff, v21  }
0x9c: {  	vm6 =	vle.f32 v1, $5.333333610e-01;
	vm7 =	vgt.f32 v1, $4.666666690e-01;
	v23 =	vmul.f32 v22, v1;
	[tilespmem:s28+$0x0] =	vst.add.f32.msk $0xffff, v3  }
0x9d: {  	vm0 =	vmand vm7, vm6;
	v3 =	vmul.f32 v22, v2;
	[tilespmem:s10+$0x0] =	vst.add.f32.msk $0xffff, v22  }
0x9e: {  	v24 =	vsel vm0, $0x3F800000, v0;
	[tilespmem:s11+$0x0] =	vst.add.f32.msk $0xffff, v23  }
0x9f: {  	s31 =	simm.s32 $0x1380;
	vm8 =	vle.f32 v1, $6.000000240e-01;
	vm9 =	vgt.f32 v1, $5.333333610e-01;
	v25 =	vmul.f32 v24, v1;
	[tilespmem:s13+$0x0] =	vst.add.f32.msk $0xffff, v3  }
0xa0: {  	s14 =	simm.s32 $0x1B00;
	vm0 =	vmand vm9, vm8;
	v3 =	vmul.f32 v24, v2;
	[tilespmem:s31+$0x0] =	vst.add.f32.msk $0xffff, v24  }
0xa1: {  	s15 =	simm.s32 $0x2280;
	v26 =	vsel vm0, $0x3F800000, v0;
	[tilespmem:s14+$0x0] =	vst.add.f32.msk $0xffff, v25  }
0xa2: {  	vm10 =	vgt.f32 v1, $6.000000240e-01;
	vm11 =	vle.f32 v1, $6.666666860e-01;
	s16 =	simm.s32 $0x1400;
	v27 =	vmul.f32 v26, v1;
	[tilespmem:s15+$0x0] =	vst.add.f32.msk $0xffff, v3  }
0xa3: {  	s17 =	simm.s32 $0x1B80;
	vm0 =	vmand vm10, vm11;
	v3 =	vmul.f32 v26, v2;
	[tilespmem:s16+$0x0] =	vst.add.f32.msk $0xffff, v26  }
0xa4: {  	s18 =	simm.s32 $0x2300;
	v28 =	vsel vm0, $0x3F800000, v0;
	[tilespmem:s17+$0x0] =	vst.add.f32.msk $0xffff, v27  }
0xa5: {  	vm12 =	vle.f32 v1, $7.333333490e-01;
	vm13 =	vgt.f32 v1, $6.666666860e-01;
	s19 =	simm.s32 $0x1480;
	v29 =	vmul.f32 v28, v1;
	[tilespmem:s18+$0x0] =	vst.add.f32.msk $0xffff, v3  }
0xa6: {  	s20 =	simm.s32 $0x1C00;
	vm0 =	vmand vm13, vm12;
	v3 =	vmul.f32 v28, v2;
	[tilespmem:s19+$0x0] =	vst.add.f32.msk $0xffff, v28  }
0xa7: {  	s21 =	simm.s32 $0x2380;
	v30 =	vsel vm0, $0x3F800000, v0;
	[tilespmem:s20+$0x0] =	vst.add.f32.msk $0xffff, v29  }
0xa8: {  	vm14 =	vle.f32 v1, $8.000000110e-01;
	vm15 =	vgt.f32 v1, $7.333333490e-01;
	s22 =	simm.s32 $0x1500;
	v31 =	vmul.f32 v30, v1;
	[tilespmem:s21+$0x0] =	vst.add.f32.msk $0xffff, v3  }
0xa9: {  	s23 =	simm.s32 $0x1C80;
	vm0 =	vmand vm15, vm14;
	v3 =	vmul.f32 v30, v2;
	[tilespmem:s22+$0x0] =	vst.add.f32.msk $0xffff, v30  }
0xaa: {  	s24 =	simm.s32 $0x2400;
	v32 =	vsel vm0, $0x3F800000, v0;
	[tilespmem:s23+$0x0] =	vst.add.f32.msk $0xffff, v31  }
0xab: {  	vm4 =	vgt.f32 v1, $8.000000110e-01;
	vm5 =	vle.f32 v1, $8.666666740e-01;
	s25 =	simm.s32 $0x1580;
	v33 =	vmul.f32 v32, v1;
	[tilespmem:s24+$0x0] =	vst.add.f32.msk $0xffff, v3  }
0xac: {  	s26 =	simm.s32 $0x1D00;
	vm0 =	vmand vm4, vm5;
	v3 =	vmul.f32 v32, v2;
	[tilespmem:s25+$0x0] =	vst.add.f32.msk $0xffff, v32  }
0xad: {  	s28 =	simm.s32 $0x2480;
	v34 =	vsel vm0, $0x3F800000, v0;
	[tilespmem:s26+$0x0] =	vst.add.f32.msk $0xffff, v33  }
0xae: {  	s29 =	simm.s32 $0x1600;
	vm6 =	vle.f32 v1, $9.333333370e-01;
	vm7 =	vgt.f32 v1, $8.666666740e-01;
	v35 =	vmul.f32 v34, v1;
	[tilespmem:s28+$0x0] =	vst.add.f32.msk $0xffff, v3  }
0xaf: {  	s30 =	simm.s32 $0x1D80;
	vm0 =	vmand vm7, vm6;
	v3 =	vmul.f32 v34, v2;
	[tilespmem:s29+$0x0] =	vst.add.f32.msk $0xffff, v34  }
0xb0: {  	s9 =	simm.s32 $0x2500;
	v36 =	vsel vm0, $0x3F800000, v0;
	[tilespmem:s30+$0x0] =	vst.add.f32.msk $0xffff, v35  }
0xb1: {  	s0 =	simm.s32 $0x1680;
	vm8 =	vle.f32 v1, $1.000000000e+00;
	vm9 =	vgt.f32 v1, $9.333333370e-01;
	v37 =	vmul.f32 v36, v1;
	[tilespmem:s9+$0x0] =	vst.add.f32.msk $0xffff, v3  }
0xb2: {  	s1 =	simm.s32 $0x1E00;
	vm0 =	vmand vm9, vm8;
	v3 =	vmul.f32 v36, v2;
	[tilespmem:s0+$0x0] =	vst.add.f32.msk $0xffff, v36  }
0xb3: {  	s8 =	simm.s32 $0x2580;
	v38 =	vsel vm0, $0x3F800000, v0;
	[tilespmem:s1+$0x0] =	vst.add.f32.msk $0xffff, v37  }
0xb4: {  	s3 =	simm.s32 $0x1700;
	v1 =	vmul.f32 v38, v1;
	[tilespmem:s8+$0x0] =	vst.add.f32.msk $0xffff, v3  }
0xb5: {  	s4 =	simm.s32 $0x1E80;
	v2 =	vmul.f32 v38, v2;
	[tilespmem:s3+$0x0] =	vst.add.f32.msk $0xffff, v38  }
0xb6: {  	s5 =	simm.s32 $0x2600;
	[tilespmem:s4+$0x0] =	vst.add.f32.msk $0xffff, v1  }
0xb7: {  	s2 =	sshra.s32 s2, $0x2;
	[tilespmem:s5+$0x0] =	vst.add.f32.msk $0xffff, v2  }
0xb8: {  	v2 =	vld [tilespmem:s2+$0x0];
	_ =	sdelay $0x3  }
0xb9: {  	v1 =	vld [tilespmem:s2+$0x800]  }
0xba: {  	vm10 =	vgt.f32 v2, $0.0e+00;
	vm11 =	vle.f32 v2, $6.666667010e-02  }
0xbb: {  	vm0 =	vmand vm10, vm11  }
0xbc: {  	v3 =	vsel vm0, $0x3F800000, v0  }
0xbd: {  	vm12 =	vgt.f32 v2, $6.666667010e-02;
	vm13 =	vle.f32 v2, $1.333333400e-01;
	v39 =	vmul.f32 v3, v2  }
0xbe: {  	s2 =	rddreg [dreg:$0x2];
	vm0 =	vmand vm12, vm13;
	[tilespmem:s12+$0x0] =	vst.add.f32.msk $0xffff, v3;
	v3 =	vmul.f32 v3, v1  }
0xbf: {  	s6 =	rddreg [dreg:$0x3];
	v40 =	vsel vm0, $0x3F800000, v0;
	[tilespmem:s2+$0x0] =	vst.add.f32.msk $0xffff, v39  }
0xc0: {  	s7 =	rddreg [dreg:$0x4];
	vm14 =	vgt.f32 v2, $1.333333400e-01;
	vm15 =	vle.f32 v2, $2.000000030e-01;
	[tilespmem:s6+$0x0] =	vst.add.f32.msk $0xffff, v3;
	v3 =	vmul.f32 v40, v2  }
0xc1: {  	vm0 =	vmand vm14, vm15;
	v4 =	vmul.f32 v40, v1;
	s2 =	rddreg [dreg:$0x5];
	[tilespmem:s7+$0x0] =	vst.add.f32.msk $0xffff, v40  }
0xc2: {  	s6 =	rddreg [dreg:$0x6];
	[tilespmem:s2+$0x0] =	vst.add.f32.msk $0xffff, v3;
	v3 =	vsel vm0, $0x3F800000, v0  }
0xc3: {  	vm4 =	vgt.f32 v2, $2.000000030e-01;
	vm5 =	vle.f32 v2, $2.666666810e-01;
	s7 =	rddreg [dreg:$0x7];
	[tilespmem:s6+$0x0] =	vst.add.f32.msk $0xffff, v4;
	v41 =	vmul.f32 v3, v2  }
0xc4: {  	s2 =	rddreg [dreg:$0x8];
	vm0 =	vmand vm4, vm5;
	[tilespmem:s7+$0x0] =	vst.add.f32.msk $0xffff, v3;
	v3 =	vmul.f32 v3, v1  }
0xc5: {  	s6 =	rddreg [dreg:$0x9];
	v42 =	vsel vm0, $0x3F800000, v0;
	[tilespmem:s2+$0x0] =	vst.add.f32.msk $0xffff, v41  }
0xc6: {  	vm6 =	vle.f32 v2, $3.333333430e-01;
	vm7 =	vgt.f32 v2, $2.666666810e-01;
	s7 =	rddreg [dreg:$0xa];
	[tilespmem:s6+$0x0] =	vst.add.f32.msk $0xffff, v3;
	v3 =	vmul.f32 v42, v2  }
0xc7: {  	vm0 =	vmand vm7, vm6;
	v43 =	vmul.f32 v42, v1;
	s2 =	rddreg [dreg:$0xb];
	[tilespmem:s7+$0x0] =	vst.add.f32.msk $0xffff, v42  }
0xc8: {  	s6 =	rddreg [dreg:$0xc];
	[tilespmem:s2+$0x0] =	vst.add.f32.msk $0xffff, v3;
	v3 =	vsel vm0, $0x3F800000, v0  }
0xc9: {  	vm8 =	vle.f32 v2, $4.000000060e-01;
	vm9 =	vgt.f32 v2, $3.333333430e-01;
	s7 =	rddreg [dreg:$0xd];
	[tilespmem:s6+$0x0] =	vst.add.f32.msk $0xffff, v43;
	v44 =	vmul.f32 v3, v2  }
0xca: {  	s2 =	rddreg [dreg:$0xe];
	vm0 =	vmand vm9, vm8;
	v45 =	vmul.f32 v3, v1;
	[tilespmem:s7+$0x0] =	vst.add.f32.msk $0xffff, v3  }
0xcb: {  	s6 =	rddreg [dreg:$0xf];
	v3 =	vsel vm0, $0x3F800000, v0;
	[tilespmem:s2+$0x0] =	vst.add.f32.msk $0xffff, v44  }
0xcc: {  	vm10 =	vle.f32 v2, $4.666666690e-01;
	vm11 =	vgt.f32 v2, $4.000000060e-01;
	s7 =	rddreg [dreg:$0x10];
	v46 =	vmul.f32 v3, v2;
	[tilespmem:s6+$0x0] =	vst.add.f32.msk $0xffff, v45  }
0xcd: {  	vm0 =	vmand vm11, vm10;
	s2 =	rddreg [dreg:$0x11];
	[tilespmem:s7+$0x0] =	vst.add.f32.msk $0xffff, v3;
	v3 =	vmul.f32 v3, v1  }
0xce: {  	v47 =	vsel vm0, $0x3F800000, v0;
	s6 =	rddreg [dreg:$0x12];
	[tilespmem:s2+$0x0] =	vst.add.f32.msk $0xffff, v46  }
0xcf: {  	vm12 =	vle.f32 v2, $5.333333610e-01;
	vm13 =	vgt.f32 v2, $4.666666690e-01;
	[tilespmem:s6+$0x0] =	vst.add.f32.msk $0xffff, v3;
	v3 =	vmul.f32 v47, v2  }
0xd0: {  	vm0 =	vmand vm13, vm12;
	v48 =	vmul.f32 v47, v1;
	[tilespmem:s10+$0x0] =	vst.add.f32.msk $0xffff, v47  }
0xd1: {  	v49 =	vsel vm0, $0x3F800000, v0;
	[tilespmem:s11+$0x0] =	vst.add.f32.msk $0xffff, v3  }
0xd2: {  	vm14 =	vle.f32 v2, $6.000000240e-01;
	vm15 =	vgt.f32 v2, $5.333333610e-01;
	v3 =	vmul.f32 v49, v2;
	[tilespmem:s13+$0x0] =	vst.add.f32.msk $0xffff, v48  }
0xd3: {  	vm0 =	vmand vm15, vm14;
	v50 =	vmul.f32 v49, v1;
	[tilespmem:s31+$0x0] =	vst.add.f32.msk $0xffff, v49  }
0xd4: {  	v51 =	vsel vm0, $0x3F800000, v0;
	[tilespmem:s14+$0x0] =	vst.add.f32.msk $0xffff, v3  }
0xd5: {  	vm4 =	vgt.f32 v2, $6.000000240e-01;
	vm5 =	vle.f32 v2, $6.666666860e-01;
	v3 =	vmul.f32 v51, v2;
	[tilespmem:s15+$0x0] =	vst.add.f32.msk $0xffff, v50  }
0xd6: {  	vm0 =	vmand vm4, vm5;
	v52 =	vmul.f32 v51, v1;
	[tilespmem:s16+$0x0] =	vst.add.f32.msk $0xffff, v51  }
0xd7: {  	v53 =	vsel vm0, $0x3F800000, v0;
	[tilespmem:s17+$0x0] =	vst.add.f32.msk $0xffff, v3  }
0xd8: {  	vm6 =	vle.f32 v2, $7.333333490e-01;
	vm7 =	vgt.f32 v2, $6.666666860e-01;
	v3 =	vmul.f32 v53, v2;
	[tilespmem:s18+$0x0] =	vst.add.f32.msk $0xffff, v52  }
0xd9: {  	vm0 =	vmand vm7, vm6;
	v54 =	vmul.f32 v53, v1;
	[tilespmem:s19+$0x0] =	vst.add.f32.msk $0xffff, v53  }
0xda: {  	v55 =	vsel vm0, $0x3F800000, v0;
	[tilespmem:s20+$0x0] =	vst.add.f32.msk $0xffff, v3  }
0xdb: {  	vm8 =	vle.f32 v2, $8.000000110e-01;
	vm9 =	vgt.f32 v2, $7.333333490e-01;
	v3 =	vmul.f32 v55, v2;
	[tilespmem:s21+$0x0] =	vst.add.f32.msk $0xffff, v54  }
0xdc: {  	vm0 =	vmand vm9, vm8;
	v56 =	vmul.f32 v55, v1;
	[tilespmem:s22+$0x0] =	vst.add.f32.msk $0xffff, v55  }
0xdd: {  	v57 =	vsel vm0, $0x3F800000, v0;
	[tilespmem:s23+$0x0] =	vst.add.f32.msk $0xffff, v3  }
0xde: {  	vm10 =	vgt.f32 v2, $8.000000110e-01;
	vm11 =	vle.f32 v2, $8.666666740e-01;
	v3 =	vmul.f32 v57, v2;
	[tilespmem:s24+$0x0] =	vst.add.f32.msk $0xffff, v56  }
0xdf: {  	vm0 =	vmand vm10, vm11;
	v58 =	vmul.f32 v57, v1;
	[tilespmem:s25+$0x0] =	vst.add.f32.msk $0xffff, v57  }
0xe0: {  	v59 =	vsel vm0, $0x3F800000, v0;
	[tilespmem:s26+$0x0] =	vst.add.f32.msk $0xffff, v3  }
0xe1: {  	vm12 =	vle.f32 v2, $9.333333370e-01;
	vm13 =	vgt.f32 v2, $8.666666740e-01;
	v3 =	vmul.f32 v59, v2;
	[tilespmem:s28+$0x0] =	vst.add.f32.msk $0xffff, v58  }
0xe2: {  	vm0 =	vmand vm13, vm12;
	v60 =	vmul.f32 v59, v1;
	[tilespmem:s29+$0x0] =	vst.add.f32.msk $0xffff, v59  }
0xe3: {  	v61 =	vsel vm0, $0x3F800000, v0;
	[tilespmem:s30+$0x0] =	vst.add.f32.msk $0xffff, v3  }
0xe4: {  	vm14 =	vle.f32 v2, $1.000000000e+00;
	vm15 =	vgt.f32 v2, $9.333333370e-01;
	v3 =	vmul.f32 v61, v2;
	[tilespmem:s9+$0x0] =	vst.add.f32.msk $0xffff, v60  }
0xe5: {  	vm0 =	vmand vm15, vm14;
	v62 =	vmul.f32 v61, v1;
	[tilespmem:s0+$0x0] =	vst.add.f32.msk $0xffff, v61  }
0xe6: {  	v63 =	vsel vm0, $0x3F800000, v0;
	[tilespmem:s1+$0x0] =	vst.add.f32.msk $0xffff, v3  }
0xe7: {  	v2 =	vmul.f32 v63, v2;
	[tilespmem:s8+$0x0] =	vst.add.f32.msk $0xffff, v62  }
0xe8: {  	v1 =	vmul.f32 v63, v1;
	[tilespmem:s3+$0x0] =	vst.add.f32.msk $0xffff, v63  }
0xe9: {  	[tilespmem:s4+$0x0] =	vst.add.f32.msk $0xffff, v2  }
0xea: {  	s7 =	simm.s32 $0x1;
	s6 =	simm.s32 $0x0;
	s29 =	rddreg [dreg:$0x15];
	[tilespmem:s5+$0x0] =	vst.add.f32.msk $0xffff, v1  }
0xeb: {  	[hbm4b:s29+s6] =	stream.linear.scatter [tilespmem:s12], [sflag:$0x1], $0x1680, $0x38;
	[tilespmem:$0x2800] =	vst v63  }
0xec: {  	_ =	swait.ge [sflag:s7], $0x1680  }
0xed: {  	s30 =	rddreg [dreg:$0x17]  }
0xee: {  	s31 =	rddreg [dreg:$0x16];
	s0 =	sadd.s32 $0x1, s30  }
0xef: {  	p0 =	sne.s32 s0, s31  }
.Ltmp1:
0xf0: {  	_ = 	snop;
	(pc) =	sbr.rel @p0 .LBB2_1-.Ltmp1, $3  }
0xf1: {  	_ =	sdelay $0x1  }
0xf2: {  	[sflag:s7] =	ssyncset.done $0x0  }
0xf3: {  	[sflag:s7] =	ssyncadd.s32 $0xFFFFE980  }
0xf4: {  	_ =	sfence.sel $0x180000  }
0xf5: {  	[bflag:$0x0] =	sbarrier.arrive $0xFFFF  }
0xf6: {  	_ =	strace $0x90000047  }
0xf7: {  	s0 =	stileid.u32;
	[bflag:$0x2] =	sbarrier.arrive $0xFFFF  }
0xf8: {  	p0 =	sne.s32 s0, $0x0;
	s0 =	rddreg [dreg:$0x1]  }
0xf9: {  	s0 =	sadd.s32 @!p0 $0x100000, s0  }
0xfa: {  	[sflag:s0] =	ssyncadd.tile.s32 @!p0 $0x1;
	_ =	shalt  }
.Lfunc_end2:
_tile_overlayer_lowered:
.L_overlay_start_2:
0xfb: {  	(tag) =	ssettag $0x2  }
0xfc: {  	s0 =	rddreg [dreg:$0x0];
	s2 =	stileid.u32  }
0xfd: {  	s1 =	rddreg [dreg:$0x1];
	p0 =	sne.s32 s2, $0x0  }
0xfe: {  	s3 =	rddreg [dreg:$0x2];
	[bflag:$0x3] =	sbarrier.arrive $0xFFFF;
	s2 =	simm.s32 @!p0 $0x1C01  }
0xff: {  	[timem:s3], [sflag:s2] =	dma.local @!p0 [hbm:s0], s1  }
0x100: {  	s0 =	simm.s32 @!p0 $0x1  }
0x101: {  	_ =	swait.ge @!p0 [sflag:s0], s1  }
0x102: {  	s1 =	ssub.s32 @!p0 $0x0, s1;
	[sflag:s0] =	ssyncset.done @!p0 $0x0  }
0x103: {  	[sflag:s0] =	ssyncadd.s32 @!p0 s1  }
0x104: {  	[bflag:$0x3] =	sbarrier.arrive $0xFFFF  }
0x105: {  	_ =	shalt  }

</sc_bundles>
